<compile_context>
chip_gen: v7x
topology: tpu7x:2x2x1
jax: 0.10.2.dev20260603
libtpu: 0.0.44.dev20260713+nightly
codegen_flags: <defaults>
</compile_context>

<pallas_src>
import functools

import jax
import jax.numpy as jnp
from jax import lax
from jax.experimental import pallas as pl
from jax.experimental.pallas import tpu as pltpu
from jax.experimental.pallas import tpu_sc as plsc

_V = 10000
_D = 128
_NC, _NS, _L = 2, 16, 16
_NW = _NC * _NS
_NPAIRS = 320000
_T = 2 * _NPAIRS
_PW = _T // _NW
_C = 80
_J = _PW // _C
_POS_M = 0.1
_NEG_M = 1.0


def _rsqrt16(t):
    i = lax.bitcast_convert_type(t, jnp.int32)
    i = jnp.int32(0x5F3759DF) - lax.shift_right_logical(i, 1)
    y = lax.bitcast_convert_type(i, jnp.float32)
    for _ in range(3):
        y = y * (1.5 - 0.5 * t * y * y)
    return y


def _make_sc_fn():
    mesh = plsc.VectorSubcoreMesh(core_axis_name="c", subcore_axis_name="s")

    @functools.partial(
        pl.kernel,
        out_type=jax.ShapeDtypeStruct((_NW, _L), jnp.float32),
        mesh=mesh,
        compiler_params=pltpu.CompilerParams(needs_layout_passes=False),
        scratch_types=[
            pltpu.VMEM((_J, _C), jnp.int32),
            pltpu.VMEM((_J, _C), jnp.int32),
            pltpu.VMEM((2, _C, _D), jnp.float32),
            pltpu.VMEM((2, _C, _D), jnp.float32),
            pltpu.VMEM((_L,), jnp.float32),
            pltpu.SemaphoreType.DMA,
            pltpu.SemaphoreType.DMA,
            pltpu.SemaphoreType.DMA,
            pltpu.SemaphoreType.DMA,
        ],
    )
    def sc_fn(ix0_hbm, ix1_hbm, table_hbm, out_hbm,
              ix0_v, ix1_v, rows0_v, rows1_v, res_v,
              sa0, sa1, sb0, sb1):
        wid = lax.axis_index("s") * _NC + lax.axis_index("c")
        iota = lax.iota(jnp.int32, _L)
        is_pos = wid < (_NW // 2)
        sgn = jnp.where(is_pos, 1.0, -1.0).astype(jnp.float32)
        off_m = jnp.where(is_pos, _POS_M, _NEG_M).astype(jnp.float32) * sgn

        pltpu.sync_copy(ix0_hbm.at[wid], ix0_v)
        pltpu.sync_copy(ix1_hbm.at[wid], ix1_v)

        sems = ((sa0, sa1), (sb0, sb1))

        def start_gather(j, slot):
            s0, s1 = sems[slot]
            c0 = pltpu.async_copy(table_hbm.at[ix0_v.at[j]],
                                  rows0_v.at[slot], s0)
            c1 = pltpu.async_copy(table_hbm.at[ix1_v.at[j]],
                                  rows1_v.at[slot], s1)
            return c0, c1

        def wait_gather(j, slot):
            s0, s1 = sems[slot]
            pltpu.make_async_copy(table_hbm.at[ix0_v.at[j]],
                                  rows0_v.at[slot], s0).wait()
            pltpu.make_async_copy(table_hbm.at[ix1_v.at[j]],
                                  rows1_v.at[slot], s1).wait()

        def compute(j, slot, acc):
            r0 = rows0_v.at[slot]
            r1 = rows1_v.at[slot]

            def group_body(g, acc_g):
                pid = g * _L + iota

                def feat_body(k, s):
                    for u in range(8):
                        fv = jnp.full((_L,), k * 8 + u, dtype=jnp.int32)
                        a = plsc.load_gather(r0, [pid, fv])
                        b = plsc.load_gather(r1, [pid, fv])
                        dd = a - b
                        s = s + dd * dd
                    return s

                s = lax.fori_loop(0, _D // 8, feat_body,
                                  jnp.zeros((_L,), jnp.float32))
                t = s + 1e-12
                d = t * _rsqrt16(t)
                h = jnp.maximum(sgn * d - off_m, 0.0)
                return acc_g + h * h

            return lax.fori_loop(0, _C // _L, group_body, acc)

        start_gather(0, 0)

        def pair_body(p, acc):
            j0 = 2 * p
            start_gather(j0 + 1, 1)
            wait_gather(j0, 0)
            acc = compute(j0, 0, acc)

            @pl.when(p + 1 < _J // 2)
            def _():
                start_gather(j0 + 2, 0)

            wait_gather(j0 + 1, 1)
            acc = compute(j0 + 1, 1, acc)
            return acc

        acc = lax.fori_loop(0, _J // 2, pair_body,
                            jnp.zeros((_L,), jnp.float32))
        res_v[...] = acc
        pltpu.sync_copy(res_v, out_hbm.at[wid])

    return sc_fn


def kernel(embedding_weight, pos_ix, neg_ix):
    ix = jnp.concatenate([pos_ix, neg_ix], axis=1)
    ix0 = ix[0].reshape(_NW, _J, _C)
    ix1 = ix[1].reshape(_NW, _J, _C)
    partials = _make_sc_fn()(ix0, ix1, embedding_weight)
    return jnp.sum(partials)

# --- scband reference (transcript-rebuilt; emitter-appended) ---
"""Pipeline reference for scband-contrastive-loss-8306466750642 (READ-ONLY COPY).

The authoritative reference and input builder live on the scoring server;
editing this copy changes nothing except your own understanding.
"""

import jax, jax.numpy as jnp
import numpy as np

TOTAL_NODES = 10000
EMBED_DIM = 128
N_PAIRS = 320000
POS_MARGIN = 0.1
NEG_MARGIN = 1.0


def _euclidean(a, b):
    # f_distance: pairwise euclidean distance along feature axis
    return jnp.sqrt(jnp.sum((a - b) ** 2, axis=-1) + 1e-12)


def setup_inputs(seed: int = 0) -> dict:
    key = jax.random.key(seed)
    k1, k2, k3 = jax.random.split(key, 3)
    embedding_weight = jax.random.normal(k1, (TOTAL_NODES, EMBED_DIM), dtype=jnp.float32) * 0.1
    pos_ix = jax.random.randint(k2, (2, N_PAIRS), 0, TOTAL_NODES, dtype=jnp.int32)
    neg_ix = jax.random.randint(k3, (2, N_PAIRS), 0, TOTAL_NODES, dtype=jnp.int32)
    return {"embedding_weight": embedding_weight, "pos_ix": pos_ix, "neg_ix": neg_ix}


def reference(embedding_weight, pos_ix, neg_ix):
    # embedding_model(ix) -> table lookup (gather)
    p0 = jnp.take(embedding_weight, pos_ix[0], axis=0)
    p1 = jnp.take(embedding_weight, pos_ix[1], axis=0)
    n0 = jnp.take(embedding_weight, neg_ix[0], axis=0)
    n1 = jnp.take(embedding_weight, neg_ix[1], axis=0)
    pos_distance = _euclidean(p0, p1)
    neg_distance = _euclidean(n0, n1)
    pos_loss = jnp.maximum(pos_distance - POS_MARGIN, 0.0) ** 2
    neg_loss = jnp.maximum(NEG_MARGIN - neg_distance, 0.0) ** 2
    loss = jnp.concatenate([pos_loss, neg_loss])
    return jnp.sum(loss)

if __name__ == "__main__":
    import jax
    _d = setup_inputs()
    print(jax.jit(kernel)(*tuple(_d.values())))

</pallas_src>

<mosaic_0001>
#map = affine_map<(d0, d1) -> (0, 0, 0)>
#map1 = affine_map<(d0, d1) -> (0, 0)>
module attributes {stable_mosaic.version = 14 : i64} {
  func.func @sc_fn(%arg0: i32, %arg1: i32, %arg2: memref<32x250x80xi32, #tpu.memory_space<hbm>>, %arg3: memref<32x250x80xi32, #tpu.memory_space<hbm>>, %arg4: memref<10000x128xf32, #tpu.memory_space<hbm>>, %arg5: memref<32x16xf32, #tpu.memory_space<hbm>>, %arg6: memref<250x80xi32, #tpu.memory_space<vmem>>, %arg7: memref<250x80xi32, #tpu.memory_space<vmem>>, %arg8: memref<2x80x128xf32, #tpu.memory_space<vmem>>, %arg9: memref<2x80x128xf32, #tpu.memory_space<vmem>>, %arg10: memref<16xf32, #tpu.memory_space<vmem>>, %arg11: memref<!tpu.dma_semaphore, #tpu.memory_space<semaphore_mem>>, %arg12: memref<!tpu.dma_semaphore, #tpu.memory_space<semaphore_mem>>, %arg13: memref<!tpu.dma_semaphore, #tpu.memory_space<semaphore_mem>>, %arg14: memref<!tpu.dma_semaphore, #tpu.memory_space<semaphore_mem>>) attributes {dimension_semantics = [#tpu.dimension_semantics<core_parallel>, #tpu.dimension_semantics<subcore_parallel>], iteration_bounds = array<i64: 2, 16>, scalar_prefetch = 0 : i64, scratch_operands = 9 : i64, tpu.core_type = #tpu.core_type<sc_vector_subcore>, window_params = [{transform_indices = #map}, {transform_indices = #map}, {transform_indices = #map1}, {transform_indices = #map1}]} {
    %mul3A = arith.constant 2 : i32
    %mul3A_0 = arith.muli %arg1, %mul3A : i32
    %add3A = arith.addi %mul3A_0, %arg0 : i32
    %iota3A = tpu.iota {dimensions = array<i32: 0>} : vector<16xi32>
    %lt3A = arith.constant 16 : i32
    %lt3A_1 = arith.cmpi slt, %add3A, %lt3A : i32
    %jit3A = arith.constant 1.000000e+00 : f32
    %jit3A_2 = arith.constant -1.000000e+00 : f32
    %select_n3A = arith.select %lt3A_1, %jit3A, %jit3A_2 : f32
    %jit3A_3 = arith.constant 1.000000e-01 : f32
    %jit3A_4 = arith.constant 1.000000e+00 : f32
    %select_n3A_5 = arith.select %lt3A_1, %jit3A_3, %jit3A_4 : f32
    %mul3A_6 = arith.mulf %select_n3A_5, %select_n3A : f32
    "tpu.region"() ({
      %run_scoped3A = tpu.sem_alloc : memref<!tpu.dma_semaphore, #tpu.memory_space<semaphore_mem>>
      %dma_start3A_37 = arith.constant 0 : i32
      %dma_start3A_38 = arith.constant 0 : i32
      %dma_start3A_39 = tpu.memref_slice %arg2[%add3A, %dma_start3A_37, %dma_start3A_38] : memref<32x250x80xi32, #tpu.memory_space<hbm>> -> memref<1x250x80xi32, #tpu.memory_space<hbm>>
      %dma_start3A_40 = tpu.memref_squeeze %dma_start3A_39 : memref<1x250x80xi32, #tpu.memory_space<hbm>> -> memref<250x80xi32, #tpu.memory_space<hbm>>
      %dma_start3A_41 = arith.constant 0 : i32
      %dma_start3A_42 = arith.constant 0 : i32
      %dma_start3A_43 = tpu.memref_slice %arg2[%add3A, %dma_start3A_41, %dma_start3A_42] : memref<32x250x80xi32, #tpu.memory_space<hbm>> -> memref<1x250x80xi32, #tpu.memory_space<hbm>>
      %dma_start3A_44 = tpu.memref_squeeze %dma_start3A_43 : memref<1x250x80xi32, #tpu.memory_space<hbm>> -> memref<250x80xi32, #tpu.memory_space<hbm>>
      tpu.enqueue_dma source(%dma_start3A_44 : memref<250x80xi32, #tpu.memory_space<hbm>>) target(%arg6 : memref<250x80xi32, #tpu.memory_space<vmem>>) target_semaphore(%run_scoped3A : memref<!tpu.dma_semaphore, #tpu.memory_space<semaphore_mem>>)
      %dma_wait3A = arith.constant 0 : i32
      %dma_wait3A_45 = arith.constant 0 : i32
      %dma_wait3A_46 = tpu.memref_slice %arg2[%add3A, %dma_wait3A, %dma_wait3A_45] : memref<32x250x80xi32, #tpu.memory_space<hbm>> -> memref<1x250x80xi32, #tpu.memory_space<hbm>>
      %dma_wait3A_47 = tpu.memref_squeeze %dma_wait3A_46 : memref<1x250x80xi32, #tpu.memory_space<hbm>> -> memref<250x80xi32, #tpu.memory_space<hbm>>
      %dma_wait3A_48 = arith.constant 0 : i32
      %dma_wait3A_49 = arith.constant 0 : i32
      %dma_wait3A_50 = tpu.memref_slice %arg2[%add3A, %dma_wait3A_48, %dma_wait3A_49] : memref<32x250x80xi32, #tpu.memory_space<hbm>> -> memref<1x250x80xi32, #tpu.memory_space<hbm>>
      %dma_wait3A_51 = tpu.memref_squeeze %dma_wait3A_50 : memref<1x250x80xi32, #tpu.memory_space<hbm>> -> memref<250x80xi32, #tpu.memory_space<hbm>>
      tpu.wait_dma2 semaphore(%run_scoped3A : memref<!tpu.dma_semaphore, #tpu.memory_space<semaphore_mem>>) src(%dma_wait3A_51 : memref<250x80xi32, #tpu.memory_space<hbm>>) dst(%arg6 : memref<250x80xi32, #tpu.memory_space<vmem>>)
      tpu.yield
    }) : () -> ()
    "tpu.region"() ({
      %run_scoped3A = tpu.sem_alloc : memref<!tpu.dma_semaphore, #tpu.memory_space<semaphore_mem>>
      %dma_start3A_37 = arith.constant 0 : i32
      %dma_start3A_38 = arith.constant 0 : i32
      %dma_start3A_39 = tpu.memref_slice %arg3[%add3A, %dma_start3A_37, %dma_start3A_38] : memref<32x250x80xi32, #tpu.memory_space<hbm>> -> memref<1x250x80xi32, #tpu.memory_space<hbm>>
      %dma_start3A_40 = tpu.memref_squeeze %dma_start3A_39 : memref<1x250x80xi32, #tpu.memory_space<hbm>> -> memref<250x80xi32, #tpu.memory_space<hbm>>
      %dma_start3A_41 = arith.constant 0 : i32
      %dma_start3A_42 = arith.constant 0 : i32
      %dma_start3A_43 = tpu.memref_slice %arg3[%add3A, %dma_start3A_41, %dma_start3A_42] : memref<32x250x80xi32, #tpu.memory_space<hbm>> -> memref<1x250x80xi32, #tpu.memory_space<hbm>>
      %dma_start3A_44 = tpu.memref_squeeze %dma_start3A_43 : memref<1x250x80xi32, #tpu.memory_space<hbm>> -> memref<250x80xi32, #tpu.memory_space<hbm>>
      tpu.enqueue_dma source(%dma_start3A_44 : memref<250x80xi32, #tpu.memory_space<hbm>>) target(%arg7 : memref<250x80xi32, #tpu.memory_space<vmem>>) target_semaphore(%run_scoped3A : memref<!tpu.dma_semaphore, #tpu.memory_space<semaphore_mem>>)
      %dma_wait3A = arith.constant 0 : i32
      %dma_wait3A_45 = arith.constant 0 : i32
      %dma_wait3A_46 = tpu.memref_slice %arg3[%add3A, %dma_wait3A, %dma_wait3A_45] : memref<32x250x80xi32, #tpu.memory_space<hbm>> -> memref<1x250x80xi32, #tpu.memory_space<hbm>>
      %dma_wait3A_47 = tpu.memref_squeeze %dma_wait3A_46 : memref<1x250x80xi32, #tpu.memory_space<hbm>> -> memref<250x80xi32, #tpu.memory_space<hbm>>
      %dma_wait3A_48 = arith.constant 0 : i32
      %dma_wait3A_49 = arith.constant 0 : i32
      %dma_wait3A_50 = tpu.memref_slice %arg3[%add3A, %dma_wait3A_48, %dma_wait3A_49] : memref<32x250x80xi32, #tpu.memory_space<hbm>> -> memref<1x250x80xi32, #tpu.memory_space<hbm>>
      %dma_wait3A_51 = tpu.memref_squeeze %dma_wait3A_50 : memref<1x250x80xi32, #tpu.memory_space<hbm>> -> memref<250x80xi32, #tpu.memory_space<hbm>>
      tpu.wait_dma2 semaphore(%run_scoped3A : memref<!tpu.dma_semaphore, #tpu.memory_space<semaphore_mem>>) src(%dma_wait3A_51 : memref<250x80xi32, #tpu.memory_space<hbm>>) dst(%arg7 : memref<250x80xi32, #tpu.memory_space<vmem>>)
      tpu.yield
    }) : () -> ()
    %dma_start3A = arith.constant 0 : i32
    %dma_start3A_7 = arith.constant 0 : i32
    %dma_start3A_8 = arith.constant 0 : i32
    %dma_start3A_9 = arith.constant 0 : i32
    %dma_start3A_10 = tpu.memref_slice %arg8[%dma_start3A_7, %dma_start3A_8, %dma_start3A_9] : memref<2x80x128xf32, #tpu.memory_space<vmem>> -> memref<1x80x128xf32, #tpu.memory_space<vmem>>
    %dma_start3A_11 = tpu.memref_squeeze %dma_start3A_10 : memref<1x80x128xf32, #tpu.memory_space<vmem>> -> memref<80x128xf32, #tpu.memory_space<vmem>>
    %dma_start3A_12 = arith.constant 0 : i32
    %dma_start3A_13 = tpu.memref_slice %arg6[%dma_start3A, %dma_start3A_12] : memref<250x80xi32, #tpu.memory_space<vmem>> -> memref<1x80xi32, #tpu.memory_space<vmem>>
    %dma_start3A_14 = tpu.memref_squeeze %dma_start3A_13 : memref<1x80xi32, #tpu.memory_space<vmem>> -> memref<80xi32, #tpu.memory_space<vmem>>
    %dma_start3A_15 = arith.constant 0 : i32
    %dma_start3A_16 = arith.constant 0 : i32
    %dma_start3A_17 = tpu.memref_slice %arg4[%dma_start3A_15, %dma_start3A_16] : memref<10000x128xf32, #tpu.memory_space<hbm>> -> memref<10000x128xf32, #tpu.memory_space<hbm>>
    tpu.enqueue_indirect_dma source(%dma_start3A_17 : memref<10000x128xf32, #tpu.memory_space<hbm>>) target(%dma_start3A_11 : memref<80x128xf32, #tpu.memory_space<vmem>>) offsets(%dma_start3A_14 : memref<80xi32, #tpu.memory_space<vmem>>) semaphore(%arg11 : memref<!tpu.dma_semaphore, #tpu.memory_space<semaphore_mem>>)
    %dma_start3A_18 = arith.constant 0 : i32
    %dma_start3A_19 = arith.constant 0 : i32
    %dma_start3A_20 = arith.constant 0 : i32
    %dma_start3A_21 = arith.constant 0 : i32
    %dma_start3A_22 = tpu.memref_slice %arg9[%dma_start3A_19, %dma_start3A_20, %dma_start3A_21] : memref<2x80x128xf32, #tpu.memory_space<vmem>> -> memref<1x80x128xf32, #tpu.memory_space<vmem>>
    %dma_start3A_23 = tpu.memref_squeeze %dma_start3A_22 : memref<1x80x128xf32, #tpu.memory_space<vmem>> -> memref<80x128xf32, #tpu.memory_space<vmem>>
    %dma_start3A_24 = arith.constant 0 : i32
    %dma_start3A_25 = tpu.memref_slice %arg7[%dma_start3A_18, %dma_start3A_24] : memref<250x80xi32, #tpu.memory_space<vmem>> -> memref<1x80xi32, #tpu.memory_space<vmem>>
    %dma_start3A_26 = tpu.memref_squeeze %dma_start3A_25 : memref<1x80xi32, #tpu.memory_space<vmem>> -> memref<80xi32, #tpu.memory_space<vmem>>
    %dma_start3A_27 = arith.constant 0 : i32
    %dma_start3A_28 = arith.constant 0 : i32
    %dma_start3A_29 = tpu.memref_slice %arg4[%dma_start3A_27, %dma_start3A_28] : memref<10000x128xf32, #tpu.memory_space<hbm>> -> memref<10000x128xf32, #tpu.memory_space<hbm>>
    tpu.enqueue_indirect_dma source(%dma_start3A_29 : memref<10000x128xf32, #tpu.memory_space<hbm>>) target(%dma_start3A_23 : memref<80x128xf32, #tpu.memory_space<vmem>>) offsets(%dma_start3A_26 : memref<80xi32, #tpu.memory_space<vmem>>) semaphore(%arg12 : memref<!tpu.dma_semaphore, #tpu.memory_space<semaphore_mem>>)
    %broadcast_in_dim3A = arith.constant 0.000000e+00 : f32
    %broadcast_in_dim3A_30 = vector.broadcast %broadcast_in_dim3A : f32 to vector<16xf32>
    %scan3A = arith.constant 0 : i32
    %scan3A_31 = arith.constant 125 : i32
    %scan3A_32 = arith.addi %scan3A, %scan3A_31 : i32
    %scan3A_33 = arith.constant 1 : i32
    %scan3A_34 = scf.for %scan3A_37 = %scan3A to %scan3A_32 step %scan3A_33 iter_args(%scan3A_38 = %broadcast_in_dim3A_30) -> (vector<16xf32>)  : i32 {
      %mul3A_39 = arith.constant 2 : i32
      %mul3A_40 = arith.muli %mul3A_39, %scan3A_37 : i32
      %add3A_41 = arith.constant 1 : i32
      %add3A_42 = arith.addi %mul3A_40, %add3A_41 : i32
      %dma_start3A_43 = arith.constant 1 : i32
      %dma_start3A_44 = arith.constant 0 : i32
      %dma_start3A_45 = arith.constant 0 : i32
      %dma_start3A_46 = tpu.memref_slice %arg8[%dma_start3A_43, %dma_start3A_44, %dma_start3A_45] : memref<2x80x128xf32, #tpu.memory_space<vmem>> -> memref<1x80x128xf32, #tpu.memory_space<vmem>>
      %dma_start3A_47 = tpu.memref_squeeze %dma_start3A_46 : memref<1x80x128xf32, #tpu.memory_space<vmem>> -> memref<80x128xf32, #tpu.memory_space<vmem>>
      %dma_start3A_48 = arith.constant 0 : i32
      %dma_start3A_49 = tpu.memref_slice %arg6[%add3A_42, %dma_start3A_48] : memref<250x80xi32, #tpu.memory_space<vmem>> -> memref<1x80xi32, #tpu.memory_space<vmem>>
      %dma_start3A_50 = tpu.memref_squeeze %dma_start3A_49 : memref<1x80xi32, #tpu.memory_space<vmem>> -> memref<80xi32, #tpu.memory_space<vmem>>
      %dma_start3A_51 = arith.constant 0 : i32
      %dma_start3A_52 = arith.constant 0 : i32
      %dma_start3A_53 = tpu.memref_slice %arg4[%dma_start3A_51, %dma_start3A_52] : memref<10000x128xf32, #tpu.memory_space<hbm>> -> memref<10000x128xf32, #tpu.memory_space<hbm>>
      tpu.enqueue_indirect_dma source(%dma_start3A_53 : memref<10000x128xf32, #tpu.memory_space<hbm>>) target(%dma_start3A_47 : memref<80x128xf32, #tpu.memory_space<vmem>>) offsets(%dma_start3A_50 : memref<80xi32, #tpu.memory_space<vmem>>) semaphore(%arg13 : memref<!tpu.dma_semaphore, #tpu.memory_space<semaphore_mem>>)
      %dma_start3A_54 = arith.constant 1 : i32
      %dma_start3A_55 = arith.constant 0 : i32
      %dma_start3A_56 = arith.constant 0 : i32
      %dma_start3A_57 = tpu.memref_slice %arg9[%dma_start3A_54, %dma_start3A_55, %dma_start3A_56] : memref<2x80x128xf32, #tpu.memory_space<vmem>> -> memref<1x80x128xf32, #tpu.memory_space<vmem>>
      %dma_start3A_58 = tpu.memref_squeeze %dma_start3A_57 : memref<1x80x128xf32, #tpu.memory_space<vmem>> -> memref<80x128xf32, #tpu.memory_space<vmem>>
      %dma_start3A_59 = arith.constant 0 : i32
      %dma_start3A_60 = tpu.memref_slice %arg7[%add3A_42, %dma_start3A_59] : memref<250x80xi32, #tpu.memory_space<vmem>> -> memref<1x80xi32, #tpu.memory_space<vmem>>
      %dma_start3A_61 = tpu.memref_squeeze %dma_start3A_60 : memref<1x80xi32, #tpu.memory_space<vmem>> -> memref<80xi32, #tpu.memory_space<vmem>>
      %dma_start3A_62 = arith.constant 0 : i32
      %dma_start3A_63 = arith.constant 0 : i32
      %dma_start3A_64 = tpu.memref_slice %arg4[%dma_start3A_62, %dma_start3A_63] : memref<10000x128xf32, #tpu.memory_space<hbm>> -> memref<10000x128xf32, #tpu.memory_space<hbm>>
      tpu.enqueue_indirect_dma source(%dma_start3A_64 : memref<10000x128xf32, #tpu.memory_space<hbm>>) target(%dma_start3A_58 : memref<80x128xf32, #tpu.memory_space<vmem>>) offsets(%dma_start3A_61 : memref<80xi32, #tpu.memory_space<vmem>>) semaphore(%arg14 : memref<!tpu.dma_semaphore, #tpu.memory_space<semaphore_mem>>)
      %dma_wait3A = arith.constant 0 : i32
      %dma_wait3A_65 = arith.constant 0 : i32
      %dma_wait3A_66 = arith.constant 0 : i32
      %dma_wait3A_67 = tpu.memref_slice %arg8[%dma_wait3A, %dma_wait3A_65, %dma_wait3A_66] : memref<2x80x128xf32, #tpu.memory_space<vmem>> -> memref<1x80x128xf32, #tpu.memory_space<vmem>>
      %dma_wait3A_68 = tpu.memref_squeeze %dma_wait3A_67 : memref<1x80x128xf32, #tpu.memory_space<vmem>> -> memref<80x128xf32, #tpu.memory_space<vmem>>
      %dma_wait3A_69 = arith.constant 0 : i32
      %dma_wait3A_70 = tpu.memref_slice %arg6[%mul3A_40, %dma_wait3A_69] : memref<250x80xi32, #tpu.memory_space<vmem>> -> memref<1x80xi32, #tpu.memory_space<vmem>>
      %dma_wait3A_71 = tpu.memref_squeeze %dma_wait3A_70 : memref<1x80xi32, #tpu.memory_space<vmem>> -> memref<80xi32, #tpu.memory_space<vmem>>
      %dma_wait3A_72 = arith.constant 0 : i32
      %dma_wait3A_73 = arith.constant 0 : i32
      %dma_wait3A_74 = tpu.memref_slice %arg4[%dma_wait3A_72, %dma_wait3A_73] : memref<10000x128xf32, #tpu.memory_space<hbm>> -> memref<10000x128xf32, #tpu.memory_space<hbm>>
      tpu.wait_indirect_dma semaphore(%arg11 : memref<!tpu.dma_semaphore, #tpu.memory_space<semaphore_mem>>) src(%dma_wait3A_74 : memref<10000x128xf32, #tpu.memory_space<hbm>>) dst(%dma_wait3A_68 : memref<80x128xf32, #tpu.memory_space<vmem>>)
      %dma_wait3A_75 = arith.constant 0 : i32
      %dma_wait3A_76 = arith.constant 0 : i32
      %dma_wait3A_77 = arith.constant 0 : i32
      %dma_wait3A_78 = tpu.memref_slice %arg9[%dma_wait3A_75, %dma_wait3A_76, %dma_wait3A_77] : memref<2x80x128xf32, #tpu.memory_space<vmem>> -> memref<1x80x128xf32, #tpu.memory_space<vmem>>
      %dma_wait3A_79 = tpu.memref_squeeze %dma_wait3A_78 : memref<1x80x128xf32, #tpu.memory_space<vmem>> -> memref<80x128xf32, #tpu.memory_space<vmem>>
      %dma_wait3A_80 = arith.constant 0 : i32
      %dma_wait3A_81 = tpu.memref_slice %arg7[%mul3A_40, %dma_wait3A_80] : memref<250x80xi32, #tpu.memory_space<vmem>> -> memref<1x80xi32, #tpu.memory_space<vmem>>
      %dma_wait3A_82 = tpu.memref_squeeze %dma_wait3A_81 : memref<1x80xi32, #tpu.memory_space<vmem>> -> memref<80xi32, #tpu.memory_space<vmem>>
      %dma_wait3A_83 = arith.constant 0 : i32
      %dma_wait3A_84 = arith.constant 0 : i32
      %dma_wait3A_85 = tpu.memref_slice %arg4[%dma_wait3A_83, %dma_wait3A_84] : memref<10000x128xf32, #tpu.memory_space<hbm>> -> memref<10000x128xf32, #tpu.memory_space<hbm>>
      tpu.wait_indirect_dma semaphore(%arg12 : memref<!tpu.dma_semaphore, #tpu.memory_space<semaphore_mem>>) src(%dma_wait3A_85 : memref<10000x128xf32, #tpu.memory_space<hbm>>) dst(%dma_wait3A_79 : memref<80x128xf32, #tpu.memory_space<vmem>>)
      %scan3A_86 = arith.constant 0 : i32
      %scan3A_87 = arith.constant 0 : i32
      %scan3A_88 = arith.constant 0 : i32
      %scan3A_89 = arith.constant 5 : i32
      %scan3A_90 = arith.addi %scan3A_88, %scan3A_89 : i32
      %scan3A_91 = arith.constant 1 : i32
      %scan3A_92 = scf.for %scan3A_133 = %scan3A_88 to %scan3A_90 step %scan3A_91 iter_args(%scan3A_134 = %scan3A_38) -> (vector<16xf32>)  : i32 {
        %mul3A_135 = arith.constant 16 : i32
        %mul3A_136 = arith.muli %scan3A_133, %mul3A_135 : i32
        %add3A_137 = vector.broadcast %mul3A_136 : i32 to vector<16xi32>
        %add3A_138 = arith.addi %add3A_137, %iota3A : vector<16xi32>
        %broadcast_in_dim3A_139 = arith.constant 0.000000e+00 : f32
        %broadcast_in_dim3A_140 = vector.broadcast %broadcast_in_dim3A_139 : f32 to vector<16xf32>
        %scan3A_141 = arith.constant 0 : i32
        %scan3A_142 = arith.constant 16 : i32
        %scan3A_143 = arith.addi %scan3A_141, %scan3A_142 : i32
        %scan3A_144 = arith.constant 1 : i32
        %scan3A_145 = scf.for %scan3A_191 = %scan3A_141 to %scan3A_143 step %scan3A_144 iter_args(%scan3A_192 = %broadcast_in_dim3A_140) -> (vector<16xf32>)  : i32 {
          %mul3A_193 = arith.constant 8 : i32
          %mul3A_194 = arith.muli %scan3A_191, %mul3A_193 : i32
          %add3A_195 = arith.constant 0 : i32
          %add3A_196 = arith.addi %mul3A_194, %add3A_195 : i32
          %broadcast_in_dim3A_197 = vector.broadcast %add3A_196 : i32 to vector<16xi32>
          %gather3A = arith.constant 0 : i32
          %gather3A_198 = arith.constant 0 : i32
          %gather3A_199 = tpu.memref_slice %arg8[%scan3A_86, %gather3A, %gather3A_198] : memref<2x80x128xf32, #tpu.memory_space<vmem>> -> memref<1x80x128xf32, #tpu.memory_space<vmem>>
          %gather3A_200 = tpu.memref_squeeze %gather3A_199 : memref<1x80x128xf32, #tpu.memory_space<vmem>> -> memref<80x128xf32, #tpu.memory_space<vmem>>
          %gather3A_201 = tpu.vector_load_idx %gather3A_200[%add3A_138, %broadcast_in_dim3A_197] : memref<80x128xf32, #tpu.memory_space<vmem>>[vector<16xi32>, vector<16xi32>], vector<16xf32>,
          %gather3A_202 = arith.constant 0 : i32
          %gather3A_203 = arith.constant 0 : i32
          %gather3A_204 = tpu.memref_slice %arg9[%scan3A_87, %gather3A_202, %gather3A_203] : memref<2x80x128xf32, #tpu.memory_space<vmem>> -> memref<1x80x128xf32, #tpu.memory_space<vmem>>
          %gather3A_205 = tpu.memref_squeeze %gather3A_204 : memref<1x80x128xf32, #tpu.memory_space<vmem>> -> memref<80x128xf32, #tpu.memory_space<vmem>>
          %gather3A_206 = tpu.vector_load_idx %gather3A_205[%add3A_138, %broadcast_in_dim3A_197] : memref<80x128xf32, #tpu.memory_space<vmem>>[vector<16xi32>, vector<16xi32>], vector<16xf32>,
          %sub3A_207 = arith.subf %gather3A_201, %gather3A_206 : vector<16xf32>
          %mul3A_208 = arith.mulf %sub3A_207, %sub3A_207 : vector<16xf32>
          %add3A_209 = arith.addf %scan3A_192, %mul3A_208 : vector<16xf32>
          %mul3A_210 = arith.constant 8 : i32
          %mul3A_211 = arith.muli %scan3A_191, %mul3A_210 : i32
          %add3A_212 = arith.constant 1 : i32
          %add3A_213 = arith.addi %mul3A_211, %add3A_212 : i32
          %broadcast_in_dim3A_214 = vector.broadcast %add3A_213 : i32 to vector<16xi32>
          %gather3A_215 = arith.constant 0 : i32
          %gather3A_216 = arith.constant 0 : i32
          %gather3A_217 = tpu.memref_slice %arg8[%scan3A_86, %gather3A_215, %gather3A_216] : memref<2x80x128xf32, #tpu.memory_space<vmem>> -> memref<1x80x128xf32, #tpu.memory_space<vmem>>
          %gather3A_218 = tpu.memref_squeeze %gather3A_217 : memref<1x80x128xf32, #tpu.memory_space<vmem>> -> memref<80x128xf32, #tpu.memory_space<vmem>>
          %gather3A_219 = tpu.vector_load_idx %gather3A_218[%add3A_138, %broadcast_in_dim3A_214] : memref<80x128xf32, #tpu.memory_space<vmem>>[vector<16xi32>, vector<16xi32>], vector<16xf32>,
          %gather3A_220 = arith.constant 0 : i32
          %gather3A_221 = arith.constant 0 : i32
          %gather3A_222 = tpu.memref_slice %arg9[%scan3A_87, %gather3A_220, %gather3A_221] : memref<2x80x128xf32, #tpu.memory_space<vmem>> -> memref<1x80x128xf32, #tpu.memory_space<vmem>>
          %gather3A_223 = tpu.memref_squeeze %gather3A_222 : memref<1x80x128xf32, #tpu.memory_space<vmem>> -> memref<80x128xf32, #tpu.memory_space<vmem>>
          %gather3A_224 = tpu.vector_load_idx %gather3A_223[%add3A_138, %broadcast_in_dim3A_214] : memref<80x128xf32, #tpu.memory_space<vmem>>[vector<16xi32>, vector<16xi32>], vector<16xf32>,
          %sub3A_225 = arith.subf %gather3A_219, %gather3A_224 : vector<16xf32>
          %mul3A_226 = arith.mulf %sub3A_225, %sub3A_225 : vector<16xf32>
          %add3A_227 = arith.addf %add3A_209, %mul3A_226 : vector<16xf32>
          %mul3A_228 = arith.constant 8 : i32
          %mul3A_229 = arith.muli %scan3A_191, %mul3A_228 : i32
          %add3A_230 = arith.constant 2 : i32
          %add3A_231 = arith.addi %mul3A_229, %add3A_230 : i32
          %broadcast_in_dim3A_232 = vector.broadcast %add3A_231 : i32 to vector<16xi32>
          %gather3A_233 = arith.constant 0 : i32
          %gather3A_234 = arith.constant 0 : i32
          %gather3A_235 = tpu.memref_slice %arg8[%scan3A_86, %gather3A_233, %gather3A_234] : memref<2x80x128xf32, #tpu.memory_space<vmem>> -> memref<1x80x128xf32, #tpu.memory_space<vmem>>
          %gather3A_236 = tpu.memref_squeeze %gather3A_235 : memref<1x80x128xf32, #tpu.memory_space<vmem>> -> memref<80x128xf32, #tpu.memory_space<vmem>>
          %gather3A_237 = tpu.vector_load_idx %gather3A_236[%add3A_138, %broadcast_in_dim3A_232] : memref<80x128xf32, #tpu.memory_space<vmem>>[vector<16xi32>, vector<16xi32>], vector<16xf32>,
          %gather3A_238 = arith.constant 0 : i32
          %gather3A_239 = arith.constant 0 : i32
          %gather3A_240 = tpu.memref_slice %arg9[%scan3A_87, %gather3A_238, %gather3A_239] : memref<2x80x128xf32, #tpu.memory_space<vmem>> -> memref<1x80x128xf32, #tpu.memory_space<vmem>>
          %gather3A_241 = tpu.memref_squeeze %gather3A_240 : memref<1x80x128xf32, #tpu.memory_space<vmem>> -> memref<80x128xf32, #tpu.memory_space<vmem>>
          %gather3A_242 = tpu.vector_load_idx %gather3A_241[%add3A_138, %broadcast_in_dim3A_232] : memref<80x128xf32, #tpu.memory_space<vmem>>[vector<16xi32>, vector<16xi32>], vector<16xf32>,
          %sub3A_243 = arith.subf %gather3A_237, %gather3A_242 : vector<16xf32>
          %mul3A_244 = arith.mulf %sub3A_243, %sub3A_243 : vector<16xf32>
          %add3A_245 = arith.addf %add3A_227, %mul3A_244 : vector<16xf32>
          %mul3A_246 = arith.constant 8 : i32
          %mul3A_247 = arith.muli %scan3A_191, %mul3A_246 : i32
          %add3A_248 = arith.constant 3 : i32
          %add3A_249 = arith.addi %mul3A_247, %add3A_248 : i32
          %broadcast_in_dim3A_250 = vector.broadcast %add3A_249 : i32 to vector<16xi32>
          %gather3A_251 = arith.constant 0 : i32
          %gather3A_252 = arith.constant 0 : i32
          %gather3A_253 = tpu.memref_slice %arg8[%scan3A_86, %gather3A_251, %gather3A_252] : memref<2x80x128xf32, #tpu.memory_space<vmem>> -> memref<1x80x128xf32, #tpu.memory_space<vmem>>
          %gather3A_254 = tpu.memref_squeeze %gather3A_253 : memref<1x80x128xf32, #tpu.memory_space<vmem>> -> memref<80x128xf32, #tpu.memory_space<vmem>>
          %gather3A_255 = tpu.vector_load_idx %gather3A_254[%add3A_138, %broadcast_in_dim3A_250] : memref<80x128xf32, #tpu.memory_space<vmem>>[vector<16xi32>, vector<16xi32>], vector<16xf32>,
          %gather3A_256 = arith.constant 0 : i32
          %gather3A_257 = arith.constant 0 : i32
          %gather3A_258 = tpu.memref_slice %arg9[%scan3A_87, %gather3A_256, %gather3A_257] : memref<2x80x128xf32, #tpu.memory_space<vmem>> -> memref<1x80x128xf32, #tpu.memory_space<vmem>>
          %gather3A_259 = tpu.memref_squeeze %gather3A_258 : memref<1x80x128xf32, #tpu.memory_space<vmem>> -> memref<80x128xf32, #tpu.memory_space<vmem>>
          %gather3A_260 = tpu.vector_load_idx %gather3A_259[%add3A_138, %broadcast_in_dim3A_250] : memref<80x128xf32, #tpu.memory_space<vmem>>[vector<16xi32>, vector<16xi32>], vector<16xf32>,
          %sub3A_261 = arith.subf %gather3A_255, %gather3A_260 : vector<16xf32>
          %mul3A_262 = arith.mulf %sub3A_261, %sub3A_261 : vector<16xf32>
          %add3A_263 = arith.addf %add3A_245, %mul3A_262 : vector<16xf32>
          %mul3A_264 = arith.constant 8 : i32
          %mul3A_265 = arith.muli %scan3A_191, %mul3A_264 : i32
          %add3A_266 = arith.constant 4 : i32
          %add3A_267 = arith.addi %mul3A_265, %add3A_266 : i32
          %broadcast_in_dim3A_268 = vector.broadcast %add3A_267 : i32 to vector<16xi32>
          %gather3A_269 = arith.constant 0 : i32
          %gather3A_270 = arith.constant 0 : i32
          %gather3A_271 = tpu.memref_slice %arg8[%scan3A_86, %gather3A_269, %gather3A_270] : memref<2x80x128xf32, #tpu.memory_space<vmem>> -> memref<1x80x128xf32, #tpu.memory_space<vmem>>
          %gather3A_272 = tpu.memref_squeeze %gather3A_271 : memref<1x80x128xf32, #tpu.memory_space<vmem>> -> memref<80x128xf32, #tpu.memory_space<vmem>>
          %gather3A_273 = tpu.vector_load_idx %gather3A_272[%add3A_138, %broadcast_in_dim3A_268] : memref<80x128xf32, #tpu.memory_space<vmem>>[vector<16xi32>, vector<16xi32>], vector<16xf32>,
          %gather3A_274 = arith.constant 0 : i32
          %gather3A_275 = arith.constant 0 : i32
          %gather3A_276 = tpu.memref_slice %arg9[%scan3A_87, %gather3A_274, %gather3A_275] : memref<2x80x128xf32, #tpu.memory_space<vmem>> -> memref<1x80x128xf32, #tpu.memory_space<vmem>>
          %gather3A_277 = tpu.memref_squeeze %gather3A_276 : memref<1x80x128xf32, #tpu.memory_space<vmem>> -> memref<80x128xf32, #tpu.memory_space<vmem>>
          %gather3A_278 = tpu.vector_load_idx %gather3A_277[%add3A_138, %broadcast_in_dim3A_268] : memref<80x128xf32, #tpu.memory_space<vmem>>[vector<16xi32>, vector<16xi32>], vector<16xf32>,
          %sub3A_279 = arith.subf %gather3A_273, %gather3A_278 : vector<16xf32>
          %mul3A_280 = arith.mulf %sub3A_279, %sub3A_279 : vector<16xf32>
          %add3A_281 = arith.addf %add3A_263, %mul3A_280 : vector<16xf32>
          %mul3A_282 = arith.constant 8 : i32
          %mul3A_283 = arith.muli %scan3A_191, %mul3A_282 : i32
          %add3A_284 = arith.constant 5 : i32
          %add3A_285 = arith.addi %mul3A_283, %add3A_284 : i32
          %broadcast_in_dim3A_286 = vector.broadcast %add3A_285 : i32 to vector<16xi32>
          %gather3A_287 = arith.constant 0 : i32
          %gather3A_288 = arith.constant 0 : i32
          %gather3A_289 = tpu.memref_slice %arg8[%scan3A_86, %gather3A_287, %gather3A_288] : memref<2x80x128xf32, #tpu.memory_space<vmem>> -> memref<1x80x128xf32, #tpu.memory_space<vmem>>
          %gather3A_290 = tpu.memref_squeeze %gather3A_289 : memref<1x80x128xf32, #tpu.memory_space<vmem>> -> memref<80x128xf32, #tpu.memory_space<vmem>>
          %gather3A_291 = tpu.vector_load_idx %gather3A_290[%add3A_138, %broadcast_in_dim3A_286] : memref<80x128xf32, #tpu.memory_space<vmem>>[vector<16xi32>, vector<16xi32>], vector<16xf32>,
          %gather3A_292 = arith.constant 0 : i32
          %gather3A_293 = arith.constant 0 : i32
          %gather3A_294 = tpu.memref_slice %arg9[%scan3A_87, %gather3A_292, %gather3A_293] : memref<2x80x128xf32, #tpu.memory_space<vmem>> -> memref<1x80x128xf32, #tpu.memory_space<vmem>>
          %gather3A_295 = tpu.memref_squeeze %gather3A_294 : memref<1x80x128xf32, #tpu.memory_space<vmem>> -> memref<80x128xf32, #tpu.memory_space<vmem>>
          %gather3A_296 = tpu.vector_load_idx %gather3A_295[%add3A_138, %broadcast_in_dim3A_286] : memref<80x128xf32, #tpu.memory_space<vmem>>[vector<16xi32>, vector<16xi32>], vector<16xf32>,
          %sub3A_297 = arith.subf %gather3A_291, %gather3A_296 : vector<16xf32>
          %mul3A_298 = arith.mulf %sub3A_297, %sub3A_297 : vector<16xf32>
          %add3A_299 = arith.addf %add3A_281, %mul3A_298 : vector<16xf32>
          %mul3A_300 = arith.constant 8 : i32
          %mul3A_301 = arith.muli %scan3A_191, %mul3A_300 : i32
          %add3A_302 = arith.constant 6 : i32
          %add3A_303 = arith.addi %mul3A_301, %add3A_302 : i32
          %broadcast_in_dim3A_304 = vector.broadcast %add3A_303 : i32 to vector<16xi32>
          %gather3A_305 = arith.constant 0 : i32
          %gather3A_306 = arith.constant 0 : i32
          %gather3A_307 = tpu.memref_slice %arg8[%scan3A_86, %gather3A_305, %gather3A_306] : memref<2x80x128xf32, #tpu.memory_space<vmem>> -> memref<1x80x128xf32, #tpu.memory_space<vmem>>
          %gather3A_308 = tpu.memref_squeeze %gather3A_307 : memref<1x80x128xf32, #tpu.memory_space<vmem>> -> memref<80x128xf32, #tpu.memory_space<vmem>>
          %gather3A_309 = tpu.vector_load_idx %gather3A_308[%add3A_138, %broadcast_in_dim3A_304] : memref<80x128xf32, #tpu.memory_space<vmem>>[vector<16xi32>, vector<16xi32>], vector<16xf32>,
          %gather3A_310 = arith.constant 0 : i32
          %gather3A_311 = arith.constant 0 : i32
          %gather3A_312 = tpu.memref_slice %arg9[%scan3A_87, %gather3A_310, %gather3A_311] : memref<2x80x128xf32, #tpu.memory_space<vmem>> -> memref<1x80x128xf32, #tpu.memory_space<vmem>>
          %gather3A_313 = tpu.memref_squeeze %gather3A_312 : memref<1x80x128xf32, #tpu.memory_space<vmem>> -> memref<80x128xf32, #tpu.memory_space<vmem>>
          %gather3A_314 = tpu.vector_load_idx %gather3A_313[%add3A_138, %broadcast_in_dim3A_304] : memref<80x128xf32, #tpu.memory_space<vmem>>[vector<16xi32>, vector<16xi32>], vector<16xf32>,
          %sub3A_315 = arith.subf %gather3A_309, %gather3A_314 : vector<16xf32>
          %mul3A_316 = arith.mulf %sub3A_315, %sub3A_315 : vector<16xf32>
          %add3A_317 = arith.addf %add3A_299, %mul3A_316 : vector<16xf32>
          %mul3A_318 = arith.constant 8 : i32
          %mul3A_319 = arith.muli %scan3A_191, %mul3A_318 : i32
          %add3A_320 = arith.constant 7 : i32
          %add3A_321 = arith.addi %mul3A_319, %add3A_320 : i32
          %broadcast_in_dim3A_322 = vector.broadcast %add3A_321 : i32 to vector<16xi32>
          %gather3A_323 = arith.constant 0 : i32
          %gather3A_324 = arith.constant 0 : i32
          %gather3A_325 = tpu.memref_slice %arg8[%scan3A_86, %gather3A_323, %gather3A_324] : memref<2x80x128xf32, #tpu.memory_space<vmem>> -> memref<1x80x128xf32, #tpu.memory_space<vmem>>
          %gather3A_326 = tpu.memref_squeeze %gather3A_325 : memref<1x80x128xf32, #tpu.memory_space<vmem>> -> memref<80x128xf32, #tpu.memory_space<vmem>>
          %gather3A_327 = tpu.vector_load_idx %gather3A_326[%add3A_138, %broadcast_in_dim3A_322] : memref<80x128xf32, #tpu.memory_space<vmem>>[vector<16xi32>, vector<16xi32>], vector<16xf32>,
          %gather3A_328 = arith.constant 0 : i32
          %gather3A_329 = arith.constant 0 : i32
          %gather3A_330 = tpu.memref_slice %arg9[%scan3A_87, %gather3A_328, %gather3A_329] : memref<2x80x128xf32, #tpu.memory_space<vmem>> -> memref<1x80x128xf32, #tpu.memory_space<vmem>>
          %gather3A_331 = tpu.memref_squeeze %gather3A_330 : memref<1x80x128xf32, #tpu.memory_space<vmem>> -> memref<80x128xf32, #tpu.memory_space<vmem>>
          %gather3A_332 = tpu.vector_load_idx %gather3A_331[%add3A_138, %broadcast_in_dim3A_322] : memref<80x128xf32, #tpu.memory_space<vmem>>[vector<16xi32>, vector<16xi32>], vector<16xf32>,
          %sub3A_333 = arith.subf %gather3A_327, %gather3A_332 : vector<16xf32>
          %mul3A_334 = arith.mulf %sub3A_333, %sub3A_333 : vector<16xf32>
          %add3A_335 = arith.addf %add3A_317, %mul3A_334 : vector<16xf32>
          scf.yield %add3A_335 : vector<16xf32>
        }
        %scan3A_146 = arith.constant 16 : i32
        %add3A_147 = arith.constant 9.99999996E-13 : f32
        %add3A_148 = vector.broadcast %add3A_147 : f32 to vector<16xf32>
        %add3A_149 = arith.addf %scan3A_145, %add3A_148 : vector<16xf32>
        %bitcast_convert_type3A = tpu.bitcast %add3A_149 : vector<16xf32> -> vector<16xi32>
        %shift_right_logical3A = arith.constant 1 : i32
        %shift_right_logical3A_150 = vector.broadcast %shift_right_logical3A : i32 to vector<16xi32>
        %shift_right_logical3A_151 = arith.shrui %bitcast_convert_type3A, %shift_right_logical3A_150 : vector<16xi32>
        %sub3A = arith.constant 1597463007 : i32
        %sub3A_152 = vector.broadcast %sub3A : i32 to vector<16xi32>
        %sub3A_153 = arith.subi %sub3A_152, %shift_right_logical3A_151 : vector<16xi32>
        %bitcast_convert_type3A_154 = tpu.bitcast %sub3A_153 : vector<16xi32> -> vector<16xf32>
        %mul3A_155 = arith.constant 5.000000e-01 : f32
        %mul3A_156 = vector.broadcast %mul3A_155 : f32 to vector<16xf32>
        %mul3A_157 = arith.mulf %mul3A_156, %add3A_149 : vector<16xf32>
        %mul3A_158 = arith.mulf %mul3A_157, %bitcast_convert_type3A_154 : vector<16xf32>
        %mul3A_159 = arith.mulf %mul3A_158, %bitcast_convert_type3A_154 : vector<16xf32>
        %sub3A_160 = arith.constant 1.500000e+00 : f32
        %sub3A_161 = vector.broadcast %sub3A_160 : f32 to vector<16xf32>
        %sub3A_162 = arith.subf %sub3A_161, %mul3A_159 : vector<16xf32>
        %mul3A_163 = arith.mulf %bitcast_convert_type3A_154, %sub3A_162 : vector<16xf32>
        %mul3A_164 = arith.constant 5.000000e-01 : f32
        %mul3A_165 = vector.broadcast %mul3A_164 : f32 to vector<16xf32>
        %mul3A_166 = arith.mulf %mul3A_165, %add3A_149 : vector<16xf32>
        %mul3A_167 = arith.mulf %mul3A_166, %mul3A_163 : vector<16xf32>
        %mul3A_168 = arith.mulf %mul3A_167, %mul3A_163 : vector<16xf32>
        %sub3A_169 = arith.constant 1.500000e+00 : f32
        %sub3A_170 = vector.broadcast %sub3A_169 : f32 to vector<16xf32>
        %sub3A_171 = arith.subf %sub3A_170, %mul3A_168 : vector<16xf32>
        %mul3A_172 = arith.mulf %mul3A_163, %sub3A_171 : vector<16xf32>
        %mul3A_173 = arith.constant 5.000000e-01 : f32
        %mul3A_174 = vector.broadcast %mul3A_173 : f32 to vector<16xf32>
        %mul3A_175 = arith.mulf %mul3A_174, %add3A_149 : vector<16xf32>
        %mul3A_176 = arith.mulf %mul3A_175, %mul3A_172 : vector<16xf32>
        %mul3A_177 = arith.mulf %mul3A_176, %mul3A_172 : vector<16xf32>
        %sub3A_178 = arith.constant 1.500000e+00 : f32
        %sub3A_179 = vector.broadcast %sub3A_178 : f32 to vector<16xf32>
        %sub3A_180 = arith.subf %sub3A_179, %mul3A_177 : vector<16xf32>
        %mul3A_181 = arith.mulf %mul3A_172, %sub3A_180 : vector<16xf32>
        %mul3A_182 = arith.mulf %add3A_149, %mul3A_181 : vector<16xf32>
        %mul3A_183 = vector.broadcast %select_n3A : f32 to vector<16xf32>
        %mul3A_184 = arith.mulf %mul3A_183, %mul3A_182 : vector<16xf32>
        %sub3A_185 = vector.broadcast %mul3A_6 : f32 to vector<16xf32>
        %sub3A_186 = arith.subf %mul3A_184, %sub3A_185 : vector<16xf32>
        %max3A = arith.constant 0.000000e+00 : f32
        %max3A_187 = vector.broadcast %max3A : f32 to vector<16xf32>
        %max3A_188 = arith.maximumf %sub3A_186, %max3A_187 : vector<16xf32>
        %mul3A_189 = arith.mulf %max3A_188, %max3A_188 : vector<16xf32>
        %add3A_190 = arith.addf %scan3A_134, %mul3A_189 : vector<16xf32>
        scf.yield %add3A_190 : vector<16xf32>
      }
      %scan3A_93 = arith.constant 5 : i32
      %add3A_94 = arith.constant 1 : i32
      %add3A_95 = arith.addi %scan3A_37, %add3A_94 : i32
      %lt3A_96 = arith.constant 125 : i32
      %lt3A_97 = arith.cmpi slt, %add3A_95, %lt3A_96 : i32
      %convert_element_type3A = arith.extui %lt3A_97 : i1 to i32
      %cond3A = arith.constant 0 : i32
      %cond3A_98 = arith.cmpi ne, %convert_element_type3A, %cond3A : i32
      scf.if %cond3A_98 {
        %add3A_133 = arith.constant 2 : i32
        %add3A_134 = arith.addi %mul3A_40, %add3A_133 : i32
        %dma_start3A_135 = arith.constant 0 : i32
        %dma_start3A_136 = arith.constant 0 : i32
        %dma_start3A_137 = arith.constant 0 : i32
        %dma_start3A_138 = tpu.memref_slice %arg8[%dma_start3A_135, %dma_start3A_136, %dma_start3A_137] : memref<2x80x128xf32, #tpu.memory_space<vmem>> -> memref<1x80x128xf32, #tpu.memory_space<vmem>>
        %dma_start3A_139 = tpu.memref_squeeze %dma_start3A_138 : memref<1x80x128xf32, #tpu.memory_space<vmem>> -> memref<80x128xf32, #tpu.memory_space<vmem>>
        %dma_start3A_140 = arith.constant 0 : i32
        %dma_start3A_141 = tpu.memref_slice %arg6[%add3A_134, %dma_start3A_140] : memref<250x80xi32, #tpu.memory_space<vmem>> -> memref<1x80xi32, #tpu.memory_space<vmem>>
        %dma_start3A_142 = tpu.memref_squeeze %dma_start3A_141 : memref<1x80xi32, #tpu.memory_space<vmem>> -> memref<80xi32, #tpu.memory_space<vmem>>
        %dma_start3A_143 = arith.constant 0 : i32
        %dma_start3A_144 = arith.constant 0 : i32
        %dma_start3A_145 = tpu.memref_slice %arg4[%dma_start3A_143, %dma_start3A_144] : memref<10000x128xf32, #tpu.memory_space<hbm>> -> memref<10000x128xf32, #tpu.memory_space<hbm>>
        tpu.enqueue_indirect_dma source(%dma_start3A_145 : memref<10000x128xf32, #tpu.memory_space<hbm>>) target(%dma_start3A_139 : memref<80x128xf32, #tpu.memory_space<vmem>>) offsets(%dma_start3A_142 : memref<80xi32, #tpu.memory_space<vmem>>) semaphore(%arg11 : memref<!tpu.dma_semaphore, #tpu.memory_space<semaphore_mem>>)
        %dma_start3A_146 = arith.constant 0 : i32
        %dma_start3A_147 = arith.constant 0 : i32
        %dma_start3A_148 = arith.constant 0 : i32
        %dma_start3A_149 = tpu.memref_slice %arg9[%dma_start3A_146, %dma_start3A_147, %dma_start3A_148] : memref<2x80x128xf32, #tpu.memory_space<vmem>> -> memref<1x80x128xf32, #tpu.memory_space<vmem>>
        %dma_start3A_150 = tpu.memref_squeeze %dma_start3A_149 : memref<1x80x128xf32, #tpu.memory_space<vmem>> -> memref<80x128xf32, #tpu.memory_space<vmem>>
        %dma_start3A_151 = arith.constant 0 : i32
        %dma_start3A_152 = tpu.memref_slice %arg7[%add3A_134, %dma_start3A_151] : memref<250x80xi32, #tpu.memory_space<vmem>> -> memref<1x80xi32, #tpu.memory_space<vmem>>
        %dma_start3A_153 = tpu.memref_squeeze %dma_start3A_152 : memref<1x80xi32, #tpu.memory_space<vmem>> -> memref<80xi32, #tpu.memory_space<vmem>>
        %dma_start3A_154 = arith.constant 0 : i32
        %dma_start3A_155 = arith.constant 0 : i32
        %dma_start3A_156 = tpu.memref_slice %arg4[%dma_start3A_154, %dma_start3A_155] : memref<10000x128xf32, #tpu.memory_space<hbm>> -> memref<10000x128xf32, #tpu.memory_space<hbm>>
        tpu.enqueue_indirect_dma source(%dma_start3A_156 : memref<10000x128xf32, #tpu.memory_space<hbm>>) target(%dma_start3A_150 : memref<80x128xf32, #tpu.memory_space<vmem>>) offsets(%dma_start3A_153 : memref<80xi32, #tpu.memory_space<vmem>>) semaphore(%arg12 : memref<!tpu.dma_semaphore, #tpu.memory_space<semaphore_mem>>)
      } else {
      }
      %add3A_99 = arith.constant 1 : i32
      %add3A_100 = arith.addi %mul3A_40, %add3A_99 : i32
      %dma_wait3A_101 = arith.constant 1 : i32
      %dma_wait3A_102 = arith.constant 0 : i32
      %dma_wait3A_103 = arith.constant 0 : i32
      %dma_wait3A_104 = tpu.memref_slice %arg8[%dma_wait3A_101, %dma_wait3A_102, %dma_wait3A_103] : memref<2x80x128xf32, #tpu.memory_space<vmem>> -> memref<1x80x128xf32, #tpu.memory_space<vmem>>
      %dma_wait3A_105 = tpu.memref_squeeze %dma_wait3A_104 : memref<1x80x128xf32, #tpu.memory_space<vmem>> -> memref<80x128xf32, #tpu.memory_space<vmem>>
      %dma_wait3A_106 = arith.constant 0 : i32
      %dma_wait3A_107 = tpu.memref_slice %arg6[%add3A_100, %dma_wait3A_106] : memref<250x80xi32, #tpu.memory_space<vmem>> -> memref<1x80xi32, #tpu.memory_space<vmem>>
      %dma_wait3A_108 = tpu.memref_squeeze %dma_wait3A_107 : memref<1x80xi32, #tpu.memory_space<vmem>> -> memref<80xi32, #tpu.memory_space<vmem>>
      %dma_wait3A_109 = arith.constant 0 : i32
      %dma_wait3A_110 = arith.constant 0 : i32
      %dma_wait3A_111 = tpu.memref_slice %arg4[%dma_wait3A_109, %dma_wait3A_110] : memref<10000x128xf32, #tpu.memory_space<hbm>> -> memref<10000x128xf32, #tpu.memory_space<hbm>>
      tpu.wait_indirect_dma semaphore(%arg13 : memref<!tpu.dma_semaphore, #tpu.memory_space<semaphore_mem>>) src(%dma_wait3A_111 : memref<10000x128xf32, #tpu.memory_space<hbm>>) dst(%dma_wait3A_105 : memref<80x128xf32, #tpu.memory_space<vmem>>)
      %dma_wait3A_112 = arith.constant 1 : i32
      %dma_wait3A_113 = arith.constant 0 : i32
      %dma_wait3A_114 = arith.constant 0 : i32
      %dma_wait3A_115 = tpu.memref_slice %arg9[%dma_wait3A_112, %dma_wait3A_113, %dma_wait3A_114] : memref<2x80x128xf32, #tpu.memory_space<vmem>> -> memref<1x80x128xf32, #tpu.memory_space<vmem>>
      %dma_wait3A_116 = tpu.memref_squeeze %dma_wait3A_115 : memref<1x80x128xf32, #tpu.memory_space<vmem>> -> memref<80x128xf32, #tpu.memory_space<vmem>>
      %dma_wait3A_117 = arith.constant 0 : i32
      %dma_wait3A_118 = tpu.memref_slice %arg7[%add3A_100, %dma_wait3A_117] : memref<250x80xi32, #tpu.memory_space<vmem>> -> memref<1x80xi32, #tpu.memory_space<vmem>>
      %dma_wait3A_119 = tpu.memref_squeeze %dma_wait3A_118 : memref<1x80xi32, #tpu.memory_space<vmem>> -> memref<80xi32, #tpu.memory_space<vmem>>
      %dma_wait3A_120 = arith.constant 0 : i32
      %dma_wait3A_121 = arith.constant 0 : i32
      %dma_wait3A_122 = tpu.memref_slice %arg4[%dma_wait3A_120, %dma_wait3A_121] : memref<10000x128xf32, #tpu.memory_space<hbm>> -> memref<10000x128xf32, #tpu.memory_space<hbm>>
      tpu.wait_indirect_dma semaphore(%arg14 : memref<!tpu.dma_semaphore, #tpu.memory_space<semaphore_mem>>) src(%dma_wait3A_122 : memref<10000x128xf32, #tpu.memory_space<hbm>>) dst(%dma_wait3A_116 : memref<80x128xf32, #tpu.memory_space<vmem>>)
      %add3A_123 = arith.constant 1 : i32
      %add3A_124 = arith.addi %mul3A_40, %add3A_123 : i32
      %scan3A_125 = arith.constant 1 : i32
      %scan3A_126 = arith.constant 1 : i32
      %scan3A_127 = arith.constant 0 : i32
      %scan3A_128 = arith.constant 5 : i32
      %scan3A_129 = arith.addi %scan3A_127, %scan3A_128 : i32
      %scan3A_130 = arith.constant 1 : i32
      %scan3A_131 = scf.for %scan3A_133 = %scan3A_127 to %scan3A_129 step %scan3A_130 iter_args(%scan3A_134 = %scan3A_92) -> (vector<16xf32>)  : i32 {
        %mul3A_135 = arith.constant 16 : i32
        %mul3A_136 = arith.muli %scan3A_133, %mul3A_135 : i32
        %add3A_137 = vector.broadcast %mul3A_136 : i32 to vector<16xi32>
        %add3A_138 = arith.addi %add3A_137, %iota3A : vector<16xi32>
        %broadcast_in_dim3A_139 = arith.constant 0.000000e+00 : f32
        %broadcast_in_dim3A_140 = vector.broadcast %broadcast_in_dim3A_139 : f32 to vector<16xf32>
        %scan3A_141 = arith.constant 0 : i32
        %scan3A_142 = arith.constant 16 : i32
        %scan3A_143 = arith.addi %scan3A_141, %scan3A_142 : i32
        %scan3A_144 = arith.constant 1 : i32
        %scan3A_145 = scf.for %scan3A_191 = %scan3A_141 to %scan3A_143 step %scan3A_144 iter_args(%scan3A_192 = %broadcast_in_dim3A_140) -> (vector<16xf32>)  : i32 {
          %mul3A_193 = arith.constant 8 : i32
          %mul3A_194 = arith.muli %scan3A_191, %mul3A_193 : i32
          %add3A_195 = arith.constant 0 : i32
          %add3A_196 = arith.addi %mul3A_194, %add3A_195 : i32
          %broadcast_in_dim3A_197 = vector.broadcast %add3A_196 : i32 to vector<16xi32>
          %gather3A = arith.constant 0 : i32
          %gather3A_198 = arith.constant 0 : i32
          %gather3A_199 = tpu.memref_slice %arg8[%scan3A_125, %gather3A, %gather3A_198] : memref<2x80x128xf32, #tpu.memory_space<vmem>> -> memref<1x80x128xf32, #tpu.memory_space<vmem>>
          %gather3A_200 = tpu.memref_squeeze %gather3A_199 : memref<1x80x128xf32, #tpu.memory_space<vmem>> -> memref<80x128xf32, #tpu.memory_space<vmem>>
          %gather3A_201 = tpu.vector_load_idx %gather3A_200[%add3A_138, %broadcast_in_dim3A_197] : memref<80x128xf32, #tpu.memory_space<vmem>>[vector<16xi32>, vector<16xi32>], vector<16xf32>,
          %gather3A_202 = arith.constant 0 : i32
          %gather3A_203 = arith.constant 0 : i32
          %gather3A_204 = tpu.memref_slice %arg9[%scan3A_126, %gather3A_202, %gather3A_203] : memref<2x80x128xf32, #tpu.memory_space<vmem>> -> memref<1x80x128xf32, #tpu.memory_space<vmem>>
          %gather3A_205 = tpu.memref_squeeze %gather3A_204 : memref<1x80x128xf32, #tpu.memory_space<vmem>> -> memref<80x128xf32, #tpu.memory_space<vmem>>
          %gather3A_206 = tpu.vector_load_idx %gather3A_205[%add3A_138, %broadcast_in_dim3A_197] : memref<80x128xf32, #tpu.memory_space<vmem>>[vector<16xi32>, vector<16xi32>], vector<16xf32>,
          %sub3A_207 = arith.subf %gather3A_201, %gather3A_206 : vector<16xf32>
          %mul3A_208 = arith.mulf %sub3A_207, %sub3A_207 : vector<16xf32>
          %add3A_209 = arith.addf %scan3A_192, %mul3A_208 : vector<16xf32>
          %mul3A_210 = arith.constant 8 : i32
          %mul3A_211 = arith.muli %scan3A_191, %mul3A_210 : i32
          %add3A_212 = arith.constant 1 : i32
          %add3A_213 = arith.addi %mul3A_211, %add3A_212 : i32
          %broadcast_in_dim3A_214 = vector.broadcast %add3A_213 : i32 to vector<16xi32>
          %gather3A_215 = arith.constant 0 : i32
          %gather3A_216 = arith.constant 0 : i32
          %gather3A_217 = tpu.memref_slice %arg8[%scan3A_125, %gather3A_215, %gather3A_216] : memref<2x80x128xf32, #tpu.memory_space<vmem>> -> memref<1x80x128xf32, #tpu.memory_space<vmem>>
          %gather3A_218 = tpu.memref_squeeze %gather3A_217 : memref<1x80x128xf32, #tpu.memory_space<vmem>> -> memref<80x128xf32, #tpu.memory_space<vmem>>
          %gather3A_219 = tpu.vector_load_idx %gather3A_218[%add3A_138, %broadcast_in_dim3A_214] : memref<80x128xf32, #tpu.memory_space<vmem>>[vector<16xi32>, vector<16xi32>], vector<16xf32>,
          %gather3A_220 = arith.constant 0 : i32
          %gather3A_221 = arith.constant 0 : i32
          %gather3A_222 = tpu.memref_slice %arg9[%scan3A_126, %gather3A_220, %gather3A_221] : memref<2x80x128xf32, #tpu.memory_space<vmem>> -> memref<1x80x128xf32, #tpu.memory_space<vmem>>
          %gather3A_223 = tpu.memref_squeeze %gather3A_222 : memref<1x80x128xf32, #tpu.memory_space<vmem>> -> memref<80x128xf32, #tpu.memory_space<vmem>>
          %gather3A_224 = tpu.vector_load_idx %gather3A_223[%add3A_138, %broadcast_in_dim3A_214] : memref<80x128xf32, #tpu.memory_space<vmem>>[vector<16xi32>, vector<16xi32>], vector<16xf32>,
          %sub3A_225 = arith.subf %gather3A_219, %gather3A_224 : vector<16xf32>
          %mul3A_226 = arith.mulf %sub3A_225, %sub3A_225 : vector<16xf32>
          %add3A_227 = arith.addf %add3A_209, %mul3A_226 : vector<16xf32>
          %mul3A_228 = arith.constant 8 : i32
          %mul3A_229 = arith.muli %scan3A_191, %mul3A_228 : i32
          %add3A_230 = arith.constant 2 : i32
          %add3A_231 = arith.addi %mul3A_229, %add3A_230 : i32
          %broadcast_in_dim3A_232 = vector.broadcast %add3A_231 : i32 to vector<16xi32>
          %gather3A_233 = arith.constant 0 : i32
          %gather3A_234 = arith.constant 0 : i32
          %gather3A_235 = tpu.memref_slice %arg8[%scan3A_125, %gather3A_233, %gather3A_234] : memref<2x80x128xf32, #tpu.memory_space<vmem>> -> memref<1x80x128xf32, #tpu.memory_space<vmem>>
          %gather3A_236 = tpu.memref_squeeze %gather3A_235 : memref<1x80x128xf32, #tpu.memory_space<vmem>> -> memref<80x128xf32, #tpu.memory_space<vmem>>
          %gather3A_237 = tpu.vector_load_idx %gather3A_236[%add3A_138, %broadcast_in_dim3A_232] : memref<80x128xf32, #tpu.memory_space<vmem>>[vector<16xi32>, vector<16xi32>], vector<16xf32>,
          %gather3A_238 = arith.constant 0 : i32
          %gather3A_239 = arith.constant 0 : i32
          %gather3A_240 = tpu.memref_slice %arg9[%scan3A_126, %gather3A_238, %gather3A_239] : memref<2x80x128xf32, #tpu.memory_space<vmem>> -> memref<1x80x128xf32, #tpu.memory_space<vmem>>
          %gather3A_241 = tpu.memref_squeeze %gather3A_240 : memref<1x80x128xf32, #tpu.memory_space<vmem>> -> memref<80x128xf32, #tpu.memory_space<vmem>>
          %gather3A_242 = tpu.vector_load_idx %gather3A_241[%add3A_138, %broadcast_in_dim3A_232] : memref<80x128xf32, #tpu.memory_space<vmem>>[vector<16xi32>, vector<16xi32>], vector<16xf32>,
          %sub3A_243 = arith.subf %gather3A_237, %gather3A_242 : vector<16xf32>
          %mul3A_244 = arith.mulf %sub3A_243, %sub3A_243 : vector<16xf32>
          %add3A_245 = arith.addf %add3A_227, %mul3A_244 : vector<16xf32>
          %mul3A_246 = arith.constant 8 : i32
          %mul3A_247 = arith.muli %scan3A_191, %mul3A_246 : i32
          %add3A_248 = arith.constant 3 : i32
          %add3A_249 = arith.addi %mul3A_247, %add3A_248 : i32
          %broadcast_in_dim3A_250 = vector.broadcast %add3A_249 : i32 to vector<16xi32>
          %gather3A_251 = arith.constant 0 : i32
          %gather3A_252 = arith.constant 0 : i32
          %gather3A_253 = tpu.memref_slice %arg8[%scan3A_125, %gather3A_251, %gather3A_252] : memref<2x80x128xf32, #tpu.memory_space<vmem>> -> memref<1x80x128xf32, #tpu.memory_space<vmem>>
          %gather3A_254 = tpu.memref_squeeze %gather3A_253 : memref<1x80x128xf32, #tpu.memory_space<vmem>> -> memref<80x128xf32, #tpu.memory_space<vmem>>
          %gather3A_255 = tpu.vector_load_idx %gather3A_254[%add3A_138, %broadcast_in_dim3A_250] : memref<80x128xf32, #tpu.memory_space<vmem>>[vector<16xi32>, vector<16xi32>], vector<16xf32>,
          %gather3A_256 = arith.constant 0 : i32
          %gather3A_257 = arith.constant 0 : i32
          %gather3A_258 = tpu.memref_slice %arg9[%scan3A_126, %gather3A_256, %gather3A_257] : memref<2x80x128xf32, #tpu.memory_space<vmem>> -> memref<1x80x128xf32, #tpu.memory_space<vmem>>
          %gather3A_259 = tpu.memref_squeeze %gather3A_258 : memref<1x80x128xf32, #tpu.memory_space<vmem>> -> memref<80x128xf32, #tpu.memory_space<vmem>>
          %gather3A_260 = tpu.vector_load_idx %gather3A_259[%add3A_138, %broadcast_in_dim3A_250] : memref<80x128xf32, #tpu.memory_space<vmem>>[vector<16xi32>, vector<16xi32>], vector<16xf32>,
          %sub3A_261 = arith.subf %gather3A_255, %gather3A_260 : vector<16xf32>
          %mul3A_262 = arith.mulf %sub3A_261, %sub3A_261 : vector<16xf32>
          %add3A_263 = arith.addf %add3A_245, %mul3A_262 : vector<16xf32>
          %mul3A_264 = arith.constant 8 : i32
          %mul3A_265 = arith.muli %scan3A_191, %mul3A_264 : i32
          %add3A_266 = arith.constant 4 : i32
          %add3A_267 = arith.addi %mul3A_265, %add3A_266 : i32
          %broadcast_in_dim3A_268 = vector.broadcast %add3A_267 : i32 to vector<16xi32>
          %gather3A_269 = arith.constant 0 : i32
          %gather3A_270 = arith.constant 0 : i32
          %gather3A_271 = tpu.memref_slice %arg8[%scan3A_125, %gather3A_269, %gather3A_270] : memref<2x80x128xf32, #tpu.memory_space<vmem>> -> memref<1x80x128xf32, #tpu.memory_space<vmem>>
          %gather3A_272 = tpu.memref_squeeze %gather3A_271 : memref<1x80x128xf32, #tpu.memory_space<vmem>> -> memref<80x128xf32, #tpu.memory_space<vmem>>
          %gather3A_273 = tpu.vector_load_idx %gather3A_272[%add3A_138, %broadcast_in_dim3A_268] : memref<80x128xf32, #tpu.memory_space<vmem>>[vector<16xi32>, vector<16xi32>], vector<16xf32>,
          %gather3A_274 = arith.constant 0 : i32
          %gather3A_275 = arith.constant 0 : i32
          %gather3A_276 = tpu.memref_slice %arg9[%scan3A_126, %gather3A_274, %gather3A_275] : memref<2x80x128xf32, #tpu.memory_space<vmem>> -> memref<1x80x128xf32, #tpu.memory_space<vmem>>
          %gather3A_277 = tpu.memref_squeeze %gather3A_276 : memref<1x80x128xf32, #tpu.memory_space<vmem>> -> memref<80x128xf32, #tpu.memory_space<vmem>>
          %gather3A_278 = tpu.vector_load_idx %gather3A_277[%add3A_138, %broadcast_in_dim3A_268] : memref<80x128xf32, #tpu.memory_space<vmem>>[vector<16xi32>, vector<16xi32>], vector<16xf32>,
          %sub3A_279 = arith.subf %gather3A_273, %gather3A_278 : vector<16xf32>
          %mul3A_280 = arith.mulf %sub3A_279, %sub3A_279 : vector<16xf32>
          %add3A_281 = arith.addf %add3A_263, %mul3A_280 : vector<16xf32>
          %mul3A_282 = arith.constant 8 : i32
          %mul3A_283 = arith.muli %scan3A_191, %mul3A_282 : i32
          %add3A_284 = arith.constant 5 : i32
          %add3A_285 = arith.addi %mul3A_283, %add3A_284 : i32
          %broadcast_in_dim3A_286 = vector.broadcast %add3A_285 : i32 to vector<16xi32>
          %gather3A_287 = arith.constant 0 : i32
          %gather3A_288 = arith.constant 0 : i32
          %gather3A_289 = tpu.memref_slice %arg8[%scan3A_125, %gather3A_287, %gather3A_288] : memref<2x80x128xf32, #tpu.memory_space<vmem>> -> memref<1x80x128xf32, #tpu.memory_space<vmem>>
          %gather3A_290 = tpu.memref_squeeze %gather3A_289 : memref<1x80x128xf32, #tpu.memory_space<vmem>> -> memref<80x128xf32, #tpu.memory_space<vmem>>
          %gather3A_291 = tpu.vector_load_idx %gather3A_290[%add3A_138, %broadcast_in_dim3A_286] : memref<80x128xf32, #tpu.memory_space<vmem>>[vector<16xi32>, vector<16xi32>], vector<16xf32>,
          %gather3A_292 = arith.constant 0 : i32
          %gather3A_293 = arith.constant 0 : i32
          %gather3A_294 = tpu.memref_slice %arg9[%scan3A_126, %gather3A_292, %gather3A_293] : memref<2x80x128xf32, #tpu.memory_space<vmem>> -> memref<1x80x128xf32, #tpu.memory_space<vmem>>
          %gather3A_295 = tpu.memref_squeeze %gather3A_294 : memref<1x80x128xf32, #tpu.memory_space<vmem>> -> memref<80x128xf32, #tpu.memory_space<vmem>>
          %gather3A_296 = tpu.vector_load_idx %gather3A_295[%add3A_138, %broadcast_in_dim3A_286] : memref<80x128xf32, #tpu.memory_space<vmem>>[vector<16xi32>, vector<16xi32>], vector<16xf32>,
          %sub3A_297 = arith.subf %gather3A_291, %gather3A_296 : vector<16xf32>
          %mul3A_298 = arith.mulf %sub3A_297, %sub3A_297 : vector<16xf32>
          %add3A_299 = arith.addf %add3A_281, %mul3A_298 : vector<16xf32>
          %mul3A_300 = arith.constant 8 : i32
          %mul3A_301 = arith.muli %scan3A_191, %mul3A_300 : i32
          %add3A_302 = arith.constant 6 : i32
          %add3A_303 = arith.addi %mul3A_301, %add3A_302 : i32
          %broadcast_in_dim3A_304 = vector.broadcast %add3A_303 : i32 to vector<16xi32>
          %gather3A_305 = arith.constant 0 : i32
          %gather3A_306 = arith.constant 0 : i32
          %gather3A_307 = tpu.memref_slice %arg8[%scan3A_125, %gather3A_305, %gather3A_306] : memref<2x80x128xf32, #tpu.memory_space<vmem>> -> memref<1x80x128xf32, #tpu.memory_space<vmem>>
          %gather3A_308 = tpu.memref_squeeze %gather3A_307 : memref<1x80x128xf32, #tpu.memory_space<vmem>> -> memref<80x128xf32, #tpu.memory_space<vmem>>
          %gather3A_309 = tpu.vector_load_idx %gather3A_308[%add3A_138, %broadcast_in_dim3A_304] : memref<80x128xf32, #tpu.memory_space<vmem>>[vector<16xi32>, vector<16xi32>], vector<16xf32>,
          %gather3A_310 = arith.constant 0 : i32
          %gather3A_311 = arith.constant 0 : i32
          %gather3A_312 = tpu.memref_slice %arg9[%scan3A_126, %gather3A_310, %gather3A_311] : memref<2x80x128xf32, #tpu.memory_space<vmem>> -> memref<1x80x128xf32, #tpu.memory_space<vmem>>
          %gather3A_313 = tpu.memref_squeeze %gather3A_312 : memref<1x80x128xf32, #tpu.memory_space<vmem>> -> memref<80x128xf32, #tpu.memory_space<vmem>>
          %gather3A_314 = tpu.vector_load_idx %gather3A_313[%add3A_138, %broadcast_in_dim3A_304] : memref<80x128xf32, #tpu.memory_space<vmem>>[vector<16xi32>, vector<16xi32>], vector<16xf32>,
          %sub3A_315 = arith.subf %gather3A_309, %gather3A_314 : vector<16xf32>
          %mul3A_316 = arith.mulf %sub3A_315, %sub3A_315 : vector<16xf32>
          %add3A_317 = arith.addf %add3A_299, %mul3A_316 : vector<16xf32>
          %mul3A_318 = arith.constant 8 : i32
          %mul3A_319 = arith.muli %scan3A_191, %mul3A_318 : i32
          %add3A_320 = arith.constant 7 : i32
          %add3A_321 = arith.addi %mul3A_319, %add3A_320 : i32
          %broadcast_in_dim3A_322 = vector.broadcast %add3A_321 : i32 to vector<16xi32>
          %gather3A_323 = arith.constant 0 : i32
          %gather3A_324 = arith.constant 0 : i32
          %gather3A_325 = tpu.memref_slice %arg8[%scan3A_125, %gather3A_323, %gather3A_324] : memref<2x80x128xf32, #tpu.memory_space<vmem>> -> memref<1x80x128xf32, #tpu.memory_space<vmem>>
          %gather3A_326 = tpu.memref_squeeze %gather3A_325 : memref<1x80x128xf32, #tpu.memory_space<vmem>> -> memref<80x128xf32, #tpu.memory_space<vmem>>
          %gather3A_327 = tpu.vector_load_idx %gather3A_326[%add3A_138, %broadcast_in_dim3A_322] : memref<80x128xf32, #tpu.memory_space<vmem>>[vector<16xi32>, vector<16xi32>], vector<16xf32>,
          %gather3A_328 = arith.constant 0 : i32
          %gather3A_329 = arith.constant 0 : i32
          %gather3A_330 = tpu.memref_slice %arg9[%scan3A_126, %gather3A_328, %gather3A_329] : memref<2x80x128xf32, #tpu.memory_space<vmem>> -> memref<1x80x128xf32, #tpu.memory_space<vmem>>
          %gather3A_331 = tpu.memref_squeeze %gather3A_330 : memref<1x80x128xf32, #tpu.memory_space<vmem>> -> memref<80x128xf32, #tpu.memory_space<vmem>>
          %gather3A_332 = tpu.vector_load_idx %gather3A_331[%add3A_138, %broadcast_in_dim3A_322] : memref<80x128xf32, #tpu.memory_space<vmem>>[vector<16xi32>, vector<16xi32>], vector<16xf32>,
          %sub3A_333 = arith.subf %gather3A_327, %gather3A_332 : vector<16xf32>
          %mul3A_334 = arith.mulf %sub3A_333, %sub3A_333 : vector<16xf32>
          %add3A_335 = arith.addf %add3A_317, %mul3A_334 : vector<16xf32>
          scf.yield %add3A_335 : vector<16xf32>
        }
        %scan3A_146 = arith.constant 16 : i32
        %add3A_147 = arith.constant 9.99999996E-13 : f32
        %add3A_148 = vector.broadcast %add3A_147 : f32 to vector<16xf32>
        %add3A_149 = arith.addf %scan3A_145, %add3A_148 : vector<16xf32>
        %bitcast_convert_type3A = tpu.bitcast %add3A_149 : vector<16xf32> -> vector<16xi32>
        %shift_right_logical3A = arith.constant 1 : i32
        %shift_right_logical3A_150 = vector.broadcast %shift_right_logical3A : i32 to vector<16xi32>
        %shift_right_logical3A_151 = arith.shrui %bitcast_convert_type3A, %shift_right_logical3A_150 : vector<16xi32>
        %sub3A = arith.constant 1597463007 : i32
        %sub3A_152 = vector.broadcast %sub3A : i32 to vector<16xi32>
        %sub3A_153 = arith.subi %sub3A_152, %shift_right_logical3A_151 : vector<16xi32>
        %bitcast_convert_type3A_154 = tpu.bitcast %sub3A_153 : vector<16xi32> -> vector<16xf32>
        %mul3A_155 = arith.constant 5.000000e-01 : f32
        %mul3A_156 = vector.broadcast %mul3A_155 : f32 to vector<16xf32>
        %mul3A_157 = arith.mulf %mul3A_156, %add3A_149 : vector<16xf32>
        %mul3A_158 = arith.mulf %mul3A_157, %bitcast_convert_type3A_154 : vector<16xf32>
        %mul3A_159 = arith.mulf %mul3A_158, %bitcast_convert_type3A_154 : vector<16xf32>
        %sub3A_160 = arith.constant 1.500000e+00 : f32
        %sub3A_161 = vector.broadcast %sub3A_160 : f32 to vector<16xf32>
        %sub3A_162 = arith.subf %sub3A_161, %mul3A_159 : vector<16xf32>
        %mul3A_163 = arith.mulf %bitcast_convert_type3A_154, %sub3A_162 : vector<16xf32>
        %mul3A_164 = arith.constant 5.000000e-01 : f32
        %mul3A_165 = vector.broadcast %mul3A_164 : f32 to vector<16xf32>
        %mul3A_166 = arith.mulf %mul3A_165, %add3A_149 : vector<16xf32>
        %mul3A_167 = arith.mulf %mul3A_166, %mul3A_163 : vector<16xf32>
        %mul3A_168 = arith.mulf %mul3A_167, %mul3A_163 : vector<16xf32>
        %sub3A_169 = arith.constant 1.500000e+00 : f32
        %sub3A_170 = vector.broadcast %sub3A_169 : f32 to vector<16xf32>
        %sub3A_171 = arith.subf %sub3A_170, %mul3A_168 : vector<16xf32>
        %mul3A_172 = arith.mulf %mul3A_163, %sub3A_171 : vector<16xf32>
        %mul3A_173 = arith.constant 5.000000e-01 : f32
        %mul3A_174 = vector.broadcast %mul3A_173 : f32 to vector<16xf32>
        %mul3A_175 = arith.mulf %mul3A_174, %add3A_149 : vector<16xf32>
        %mul3A_176 = arith.mulf %mul3A_175, %mul3A_172 : vector<16xf32>
        %mul3A_177 = arith.mulf %mul3A_176, %mul3A_172 : vector<16xf32>
        %sub3A_178 = arith.constant 1.500000e+00 : f32
        %sub3A_179 = vector.broadcast %sub3A_178 : f32 to vector<16xf32>
        %sub3A_180 = arith.subf %sub3A_179, %mul3A_177 : vector<16xf32>
        %mul3A_181 = arith.mulf %mul3A_172, %sub3A_180 : vector<16xf32>
        %mul3A_182 = arith.mulf %add3A_149, %mul3A_181 : vector<16xf32>
        %mul3A_183 = vector.broadcast %select_n3A : f32 to vector<16xf32>
        %mul3A_184 = arith.mulf %mul3A_183, %mul3A_182 : vector<16xf32>
        %sub3A_185 = vector.broadcast %mul3A_6 : f32 to vector<16xf32>
        %sub3A_186 = arith.subf %mul3A_184, %sub3A_185 : vector<16xf32>
        %max3A = arith.constant 0.000000e+00 : f32
        %max3A_187 = vector.broadcast %max3A : f32 to vector<16xf32>
        %max3A_188 = arith.maximumf %sub3A_186, %max3A_187 : vector<16xf32>
        %mul3A_189 = arith.mulf %max3A_188, %max3A_188 : vector<16xf32>
        %add3A_190 = arith.addf %scan3A_134, %mul3A_189 : vector<16xf32>
        scf.yield %add3A_190 : vector<16xf32>
      }
      %scan3A_132 = arith.constant 5 : i32
      scf.yield %scan3A_131 : vector<16xf32>
    }
    %scan3A_35 = arith.constant 125 : i32
    %swap3A = arith.constant 0 : index
    %swap3A_36 = tpu.vector_load %arg10[%swap3A] {strides = array<i32>} : memref<16xf32, #tpu.memory_space<vmem>>, vector<16xf32>,
    tpu.vector_store %arg10[%swap3A], %scan3A_34 {strides = array<i32>} : memref<16xf32, #tpu.memory_space<vmem>>, vector<16xf32>,
    "tpu.region"() ({
      %run_scoped3A = tpu.sem_alloc : memref<!tpu.dma_semaphore, #tpu.memory_space<semaphore_mem>>
      %dma_start3A_37 = arith.constant 0 : i32
      %dma_start3A_38 = tpu.memref_slice %arg5[%add3A, %dma_start3A_37] : memref<32x16xf32, #tpu.memory_space<hbm>> -> memref<1x16xf32, #tpu.memory_space<hbm>>
      %dma_start3A_39 = tpu.memref_squeeze %dma_start3A_38 : memref<1x16xf32, #tpu.memory_space<hbm>> -> memref<16xf32, #tpu.memory_space<hbm>>
      %dma_start3A_40 = arith.constant 0 : i32
      %dma_start3A_41 = tpu.memref_slice %arg5[%add3A, %dma_start3A_40] : memref<32x16xf32, #tpu.memory_space<hbm>> -> memref<1x16xf32, #tpu.memory_space<hbm>>
      %dma_start3A_42 = tpu.memref_squeeze %dma_start3A_41 : memref<1x16xf32, #tpu.memory_space<hbm>> -> memref<16xf32, #tpu.memory_space<hbm>>
      tpu.enqueue_dma source(%arg10 : memref<16xf32, #tpu.memory_space<vmem>>) target(%dma_start3A_42 : memref<16xf32, #tpu.memory_space<hbm>>) target_semaphore(%run_scoped3A : memref<!tpu.dma_semaphore, #tpu.memory_space<semaphore_mem>>)
      %dma_wait3A = arith.constant 0 : i32
      %dma_wait3A_43 = tpu.memref_slice %arg5[%add3A, %dma_wait3A] : memref<32x16xf32, #tpu.memory_space<hbm>> -> memref<1x16xf32, #tpu.memory_space<hbm>>
      %dma_wait3A_44 = tpu.memref_squeeze %dma_wait3A_43 : memref<1x16xf32, #tpu.memory_space<hbm>> -> memref<16xf32, #tpu.memory_space<hbm>>
      %dma_wait3A_45 = arith.constant 0 : i32
      %dma_wait3A_46 = tpu.memref_slice %arg5[%add3A, %dma_wait3A_45] : memref<32x16xf32, #tpu.memory_space<hbm>> -> memref<1x16xf32, #tpu.memory_space<hbm>>
      %dma_wait3A_47 = tpu.memref_squeeze %dma_wait3A_46 : memref<1x16xf32, #tpu.memory_space<hbm>> -> memref<16xf32, #tpu.memory_space<hbm>>
      tpu.wait_dma2 semaphore(%run_scoped3A : memref<!tpu.dma_semaphore, #tpu.memory_space<semaphore_mem>>) src(%arg10 : memref<16xf32, #tpu.memory_space<vmem>>) dst(%dma_wait3A_47 : memref<16xf32, #tpu.memory_space<hbm>>)
      tpu.yield
    }) : () -> ()
    return
  }
}

</mosaic_0001>

<sc_bundles>
// kernel: kernel.3.cloned.1.call-start
scs
__scs_entry_jumppad:
0x0: {  	(pc) =	sbr.rel $0x88, $3  }
0x1: {  	(tag) =	ssettag $0x0;
	lr =	simm.s32 $0x1  }
0x2: {  	[smem:$0x3F9E] =	sst lr;
	_ =	strace $0xD0000000  }
0x3: {  	_ = 	snop  }
0x4: {  	_ = 	snop  }
0x5: {  	_ = 	snop  }
0x6: {  	_ = 	snop  }
0x7: {  	_ = 	snop  }
__scs_overlays_trampoline_lowered:
0x8: {  	[smem:$0x3FAD] =	sst s0  }
0x9: {  	[smem:$0x3FAE] =	sst s1  }
0xa: {  	[smem:$0x3FAF] =	sst s2  }
0xb: {  	[smem:$0x3FB0] =	sst s3  }
0xc: {  	[smem:$0x3FB1] =	sst s4  }
0xd: {  	[smem:$0x3FB2] =	sst s5  }
0xe: {  	[smem:$0x3FB3] =	sst s6  }
0xf: {  	[smem:$0x3FB4] =	sst s7  }
0x10: {  	[smem:$0x3FB5] =	sst s8  }
0x11: {  	[smem:$0x3FB6] =	sst s9;
	s0 =	simm.s32 @!p0 $0x0  }
0x12: {  	s1 =	sld [smem:$0x3F9C];
	s0 =	simm.s32 @p0 $0x1  }
0x13: {  	[smem:$0x3FB7] =	sst s0;
	s0 =	simm.s32 @!p1 $0x0  }
0x14: {  	s2 =	sld [smem:$0x3F9B];
	s0 =	simm.s32 @p1 $0x1  }
0x15: {  	[smem:$0x3FB8] =	sst s0;
	s0 =	simm.s32 @!p2 $0x0  }
0x16: {  	s3 =	sld [smem:$0x3FDB];
	s0 =	simm.s32 @p2 $0x1  }
0x17: {  	s4 =	simm.s32 $0x1BF5;
	[smem:$0x3FBA] =	sst s0  }
0x18: {  	s0 =	sld [smem:$0x3F9D];
	_ =	swait.ge [sflag:s4], $0x0  }
0x19: {  	s7 =	sld [smem:$0x3F9E]  }
0x1a: {  	s8 =	sadd.s32 $0xFFFFE003, lr  }
0x1b: {  	s9 =	sadd.s32 $0xFFFFFEF7, lr;
	s5 =	simm.s32 $0xFFFFFFFF;
	p2 =	slt.u32 s8, $0xFFFFF086  }
0x1c: {  	p1 =	slt.u32 s9, $0xF7A;
	s5 =	simm.s32 @!p2 $0x0  }
0x1d: {  	s5 =	simm.s32 @p1 $0x1;
	p0 =	seq.s32 s7, s2  }
0x1e: {  	s7 =	smul.u32 @!p0 $0xF7A, s2;
	p2 =	seq.s32 @!p0 s5, $0x0  }
0x1f: {  	s9 =	smul.u32 $0xF7A, s1;
	s8 =	simm.s32 @!p0 $0x1BF5;
	p2 =	por !p2, p0  }
0x20: {  	[sflag:s8] =	ssyncset.s32 @!p0 $0xFFFFF086;
	s6 =	sadd.s32 @!p0 s3, s7;
	s7 =	simm.s32 @!p0 $0x108  }
0x21: {  	s3 =	sadd.s32 s3, s9;
	s6 =	sadd.s32 @!p0 $0x88, s6;
	s7 =	simm.s32 @p2 $0x1082  }
0x22: {  	[simem:s7], [sflag:s8] =	dma.local @!p0 [hbm:s6], $0xF7A  }
0x23: {  	s9 =	sor.u32 $0xD0000000, s2;
	s6 =	simm.s32 $0x108;
	_ =	swait.ge @!p0 [sflag:s8], $0x0  }
0x24: {  	s3 =	sadd.s32 $0x88, s3;
	s6 =	simm.s32 @!p1 $0x1082;
	[sflag:s4] =	ssyncset.s32 $0xFFFFF086  }
0x25: {  	[simem:s6], [sflag:s4] =	dma.local [hbm:s3], $0xF7A  }
0x26: {  	[smem:$0x3F9E] =	sst s1;
	(tag) =	ssettag s2;
	_ =	strace s9  }
0x27: {  	s1 =	sld [smem:$0x3FAE]  }
0x28: {  	s2 =	sld [smem:$0x3FAF]  }
0x29: {  	s4 =	sld [smem:$0x3FB1]  }
0x2a: {  	p0 =	seq.s32 s5, $0x0;
	s5 =	sld [smem:$0x3FB2]  }
0x2b: {  	s6 =	sld [smem:$0x3FB3]  }
0x2c: {  	s7 =	sld [smem:$0x3FB4]  }
0x2d: {  	s3 =	simm.s32 $0x108;
	s8 =	sld [smem:$0x3FB5]  }
0x2e: {  	s3 =	simm.s32 @!p0 $0x1082;
	s9 =	sld [smem:$0x3FB6]  }
0x2f: {  	lr =	sadd.s32 s0, s3;
	s0 =	sld [smem:$0x3FAD]  }
0x30: {  	s3 =	sld [smem:$0x3FB0]  }
0x31: {  	[smem:$0x3FB9] =	sst s10  }
0x32: {  	s10 =	sld [smem:$0x3FB7];
	_ =	sdelay $0x3  }
0x33: {  	p0 =	seq.s32 s10, $0x1;
	s10 =	sld [smem:$0x3FB9];
	_ =	sdelay $0x3  }
0x34: {  	[smem:$0x3FB9] =	sst s10  }
0x35: {  	s10 =	sld [smem:$0x3FB8];
	_ =	sdelay $0x3  }
0x36: {  	p1 =	seq.s32 s10, $0x1;
	s10 =	sld [smem:$0x3FB9];
	_ =	sdelay $0x3  }
0x37: {  	[smem:$0x3FB9] =	sst s10  }
0x38: {  	s10 =	sld [smem:$0x3FBA]  }
0x39: {  	_ = 	snop;
	(pc) =	sbr.ind lr, $3  }
0x3a: {  	_ = 	snop  }
0x3b: {  	_ = 	snop  }
0x3c: {  	p2 =	seq.s32 s10, $0x1;
	s10 =	sld [smem:$0x3FB9]  }
0x3d: {  	_ =	shalt  }
0x3e: {  	_ =	shalt  }
0x3f: {  	_ =	shalt  }
0x40: {  	_ =	shalt  }
0x41: {  	_ =	shalt  }
0x42: {  	_ =	shalt  }
0x43: {  	_ =	shalt  }
0x44: {  	_ =	shalt  }
0x45: {  	_ =	shalt  }
0x46: {  	_ =	shalt  }
0x47: {  	_ =	shalt  }
0x48: {  	_ =	shalt  }
0x49: {  	_ =	shalt  }
0x4a: {  	_ =	shalt  }
0x4b: {  	_ =	shalt  }
0x4c: {  	_ =	shalt  }
0x4d: {  	_ =	shalt  }
0x4e: {  	_ =	shalt  }
0x4f: {  	_ =	shalt  }
0x50: {  	_ =	shalt  }
0x51: {  	_ =	shalt  }
0x52: {  	_ =	shalt  }
0x53: {  	_ =	shalt  }
0x54: {  	_ =	shalt  }
0x55: {  	_ =	shalt  }
0x56: {  	_ =	shalt  }
0x57: {  	_ =	shalt  }
0x58: {  	_ =	shalt  }
0x59: {  	_ =	shalt  }
0x5a: {  	_ =	shalt  }
0x5b: {  	_ =	shalt  }
0x5c: {  	_ =	shalt  }
0x5d: {  	_ =	shalt  }
0x5e: {  	_ =	shalt  }
0x5f: {  	_ =	shalt  }
0x60: {  	_ =	shalt  }
0x61: {  	_ =	shalt  }
0x62: {  	_ =	shalt  }
0x63: {  	_ =	shalt  }
0x64: {  	_ =	shalt  }
0x65: {  	_ =	shalt  }
0x66: {  	_ =	shalt  }
0x67: {  	_ =	shalt  }
0x68: {  	_ =	shalt  }
0x69: {  	_ =	shalt  }
0x6a: {  	_ =	shalt  }
0x6b: {  	_ =	shalt  }
0x6c: {  	_ =	shalt  }
0x6d: {  	_ =	shalt  }
0x6e: {  	_ =	shalt  }
0x6f: {  	_ =	shalt  }
0x70: {  	_ =	shalt  }
0x71: {  	_ =	shalt  }
0x72: {  	_ =	shalt  }
0x73: {  	_ =	shalt  }
0x74: {  	_ =	shalt  }
0x75: {  	_ =	shalt  }
0x76: {  	_ =	shalt  }
0x77: {  	_ =	shalt  }
0x78: {  	_ =	shalt  }
0x79: {  	_ =	shalt  }
0x7a: {  	_ =	shalt  }
0x7b: {  	_ =	shalt  }
0x7c: {  	_ =	shalt  }
0x7d: {  	_ =	shalt  }
0x7e: {  	_ =	shalt  }
0x7f: {  	_ =	shalt  }
0x80: {  	_ =	shalt  }
0x81: {  	_ =	shalt  }
0x82: {  	_ =	shalt  }
0x83: {  	_ =	shalt  }
0x84: {  	_ =	shalt  }
0x85: {  	_ =	shalt  }
0x86: {  	_ =	shalt  }
0x87: {  	_ =	shalt  }
.Lfunc_end0:
.L_simem_size_0:
called_computation_lowered:
.L_overlay_start_0:
0x88: {  	s2 =	sld [smem:$0x3FD9]  }
0x89: {  	s3 =	sld [smem:$0x3FFE];
	_ =	sdelay $0x1  }
0x8a: {  	s1 =	srdreg.scid  }
0x8b: {  	s0 =	sand.u32 $0x1, s1  }
0x8c: {  	s17 =	sshll.u32 s0, $0xA;
	s2 =	sadd.s32 s3, s2  }
0x8d: {  	s2 =	sadd.s32 s2, s17  }
0x8e: {  	[smem:$0x3FC5] =	sst s2  }
0x8f: {  	_ = 	snop  }
0x90: {  	s2 =	sld [smem:$0x3FC9];
	(tm) =	ssettm $0x1  }
0x91: {  	s18 =	sld [smem:$0x3FFB];
	_ =	sdelay $0x3  }
0x92: {  	_ =	strace s18  }
0x93: {  	s3 =	sld [smem:$0x3FFC];
	_ =	sdelay $0x3  }
0x94: {  	_ =	strace s3  }
0x95: {  	s3 =	sld [smem:$0x3FFD];
	_ =	sdelay $0x3  }
0x96: {  	_ =	strace s3  }
0x97: {  	_ =	strace $0x8FFFFFFF  }
0x98: {  	s19 =	sld [smem:$0x3FDB];
	_ =	sdelay $0x1  }
0x99: {  	s4 =	simm.s32 $_scs_section_size  }
0x9a: {  	s5 =	simm.s32 $_size__tile_overlayer_lowered;
	s6 =	simm.s32 $_tile_overlayer_lowered  }
0x9b: {  	s22 =	simm.s32 $0x1BFF;
	s21 =	sshll.u32 s6, $0x1;
	s3 =	sadd.s32 s4, s19  }
0x9c: {  	s7 =	simm.s32 $0x0;
	s20 =	sshll.u32 s5, $0x1;
	s5 =	sadd.s32 s21, s3  }
0x9d: {  	[timem:s7], [sflag:s22] =	dma.local [hbm:s5], s20  }
0x9e: {  	_ =	swait.ge [sflag:s22], s20  }
0x9f: {  	s4 =	ssub.s32 $0x0, s20;
	[sflag:s22] =	ssyncset.done $0x0  }
0xa0: {  	[sflag:s22] =	ssyncadd.s32 s4;
	_ =	sdelay $0x1  }
0xa1: {  	s23 =	simm.s32 $0x1B8B  }
0xa2: {  	_ =	swait.ge [sflag:s23], $0x1  }
0xa3: {  	[sflag:s23] =	ssyncset.done $0x0  }
0xa4: {  	s25 =	simm.s32 $0x1B8E;
	s24 =	sld [smem:$0x3FFE];
	[sflag:s23] =	ssyncadd.s32 $0xFFFFFFFF  }
0xa5: {  	s26 =	simm.s32 $execute0_lowered;
	[smem:$0x3FD2] =	sst s25  }
0xa6: {  	s5 =	sshll.u32 s26, $0x1;
	_ =	strace $0x80000046;
	[dreg:$0x1] =	wrdreg $0xFFFFFFFF  }
0xa7: {  	s28 =	simm.s32 $_size_execute0_lowered;
	s3 =	sadd.s32 s3, s5;
	[dreg:$0x0] =	wrdreg $0x0  }
0xa8: {  	s5 =	sshll.u32 s28, $0x1;
	[dreg:$0x2] =	wrdreg s3  }
0xa9: {  	[dreg:$0x3] =	wrdreg s5  }
0xaa: {  	[dreg:$0x4] =	wrdreg $0xC0  }
0xab: {  	_ =	task [dreg:s7], $0x5FFFF  }
0xac: {  	[dreg:$0x1] =	wrdreg $0xFFFFFFFF  }
0xad: {  	[dreg:$0x0] =	wrdreg $0x60  }
0xae: {  	[dreg:$0x2] =	wrdreg s24  }
0xaf: {  	[dreg:$0x3] =	wrdreg s2  }
0xb0: {  	[dreg:$0x4] =	wrdreg $0x9  }
0xb1: {  	_ =	task.clear_ibuf [dreg:s7], $0x5FFFF;
	_ =	strace $0x90000046  }
0xb2: {  	s29 =	simm.s32 $0x9;
	_ =	strace $0x80000048  }
0xb3: {  	_ =	swait.ge [sflag:s29], $0x1  }
0xb4: {  	[sflag:s29] =	ssyncadd.s32 $0xFFFFFFFF  }
0xb5: {  	_ =	strace $0x90000048  }
0xb6: {  	_ =	sfence  }
0xb7: {  	s30 =	sld [smem:$0x0];
	_ =	sdelay $0x2  }
0xb8: {  	s31 =	sshll.u32 s1, $0xD;
	s1 =	sshrl.u32 s1, $0x2  }
0xb9: {  	s3 =	sand.u32 $0x4000, s31;
	s1 =	sadd.s32 s1, s30  }
0xba: {  	s0 =	sor.u32 s3, s0;
	s1 =	sshll.u32 s1, $0x11  }
0xbb: {  	s0 =	sor.u32 s1, s0  }
0xbc: {  	s0 =	sadd.s32 $0x8F2B, s0  }
0xbd: {  	[sflag:s0] =	ssyncadd.remote.s32 $0x1  }
0xbe: {  	_ =	sfence.sel $0xFFFF  }
0xbf: {  	[dreg:$0x0] =	wrdreg $0xFFFFFFFF;
	(pc) =	sbr.abs _section_cstart, $3  }
0xc0: {  	[dreg:$0x1] =	wrdreg $0xFFFFFFFF  }
0xc1: {  	_ =	task.clear_ibuf [dreg:s7], $0x2FFFF;
	_ =	strace $0x9FFFFFFF  }
0xc2: {  	(tm) =	ssettm $0x7FFFFFFF  }
0xc3: {  	_ =	shalt  }
tec
execute0_lowered:
.L_overlay_start_1:
0x0: {  	(tag) =	ssettag $0x1  }
0x1: {  	s4 =	rddreg [dreg:$0x0]  }
0x2: {  	s1 =	srdreg.scid;
	s0 =	stileid.u32  }
0x3: {  	s2 =	rddreg [dreg:$0x1];
	s3 =	simm.s32 $0x0;
	s18 =	simm.f32 $1.000000000e+00  }
0x4: {  	s19 =	simm.f32 $1.000000010e-01;
	s9 =	simm.s32 $0x8000;
	s10 =	simm.s32 $0x50  }
0x5: {  	s11 =	simm.s32 $0x10000;
	s12 =	simm.s32 $0x15000;
	s13 =	simm.s32 $0x12800  }
0x6: {  	s14 =	simm.s32 $0x17800;
	s15 =	simm.s32 $0x1;
	s16 =	simm.s32 $0x2  }
0x7: {  	s17 =	simm.s32 $0x3;
	s5 =	sand.u32 $0x1, s1;
	s1 =	rddreg [dreg:$0x2]  }
0x8: {  	s20 =	simm.s32 $0x0;
	s6 =	sshll.u32 s0, $0x1;
	[smem:$0x7FF] =	sst s3  }
0x9: {  	p0 =	slt.u32 s0, $0x8;
	s6 =	sor.u32 s5, s6;
	s5 =	ssub.s32 $0x2, s5  }
0xa: {  	_ =	strace $0x80000047;
	s18 =	simm.s32 @!p0 $0xBF800000;
	s19 =	simm.s32 @!p0 $0xBF800000  }
0xb: {  	s7 =	sshll.u32 s6, $0x4;
	s8 =	sshrl.u32 s5, $0x1;
	s31 =	sshll.u32 s6, $0xC  }
0xc: {  	v0 =	vmov s18;
	s18 =	simm.s32 $0x4;
	s7 =	sadd.s32 s7, s4;
	s4 =	sadd.s32 s4, s31  }
0xd: {  	v2 =	vlaneseq.u32;
	v1 =	vmov s19;
	s19 =	simm.s32 $0x1A000;
	s8 =	ssub.s32 s5, s8;
	s5 =	sadd.s32 $0x20000, s4  }
0xe: {  	v2 =	vmul.u32 $0x80, v2;
	s6 =	sadd.s32 $0x40000, s7;
	s7 =	smax.u32 s8, $0x1;
	s8 =	simm.s32 $0x5  }
.LBB2_1:
0xf: {  	[tilespmem:s3], [sflag:$0x5] =	stream.linear.gather [hbm4b:s5+s3], $0x7D00, $0x38;
	[tilespmem:$0x1A080] =	vst v63  }
0x10: {  	_ =	swait.ge [sflag:s8], $0x7D00  }
0x11: {  	[sflag:s8] =	ssyncset.done $0x0  }
0x12: {  	[sflag:s8] =	ssyncadd.s32 $0xFFFF8300  }
0x13: {  	[tilespmem:s9], [sflag:$0x5] =	stream.linear.gather [hbm4b:s4+s3], $0x7D00, $0x38;
	[tilespmem:$0x1A080] =	vst v63  }
0x14: {  	_ =	swait.ge [sflag:s8], $0x7D00  }
0x15: {  	[sflag:s8] =	ssyncset.done $0x0  }
0x16: {  	[sflag:s8] =	ssyncadd.s32 $0xFFFF8300  }
0x17: {  	[tilespmem:s11], [sflag:$0x1] =	stream.indirect.gather [hbm4b:s2+s10], $0x80, s3, s10, $0xb8;
	[tilespmem:$0x1A080] =	vst v63  }
0x18: {  	s21 =	simm.s32 $0x0  }
0x19: {  	v3 =	vimm.f32 $0.0e+00;
	[tilespmem:s12], [sflag:$0x2] =	stream.indirect.gather [hbm4b:s2+s10], $0x80, s9, s10, $0xb8;
	[tilespmem:$0x1A080] =	vst v63  }
.LBB2_3:
0x1a: {  	s22 =	sshll.u32 s21, $0x8  }
0x1b: {  	s23 =	sor.u32 $0x80, s22  }
0x1c: {  	[tilespmem:s13], [sflag:$0x3] =	stream.indirect.gather [hbm4b:s2+s10], $0x80, s23, s10, $0xb8;
	[tilespmem:$0x1A080] =	vst v63  }
0x1d: {  	s31 =	sadd.s32 $0x8080, s22  }
0x1e: {  	[tilespmem:s14], [sflag:$0x4] =	stream.indirect.gather [hbm4b:s2+s10], $0x80, s31, s10, $0xb8;
	[tilespmem:$0x1A080] =	vst v63  }
0x1f: {  	_ =	swait.ge [sflag:s15], $0x2800  }
0x20: {  	[sflag:s15] =	ssyncset.done $0x0  }
0x21: {  	[sflag:s15] =	ssyncadd.s32 $0xFFFFD800  }
0x22: {  	_ =	swait.ge [sflag:s16], $0x2800  }
0x23: {  	[sflag:s16] =	ssyncset.done $0x0  }
0x24: {  	s23 =	simm.s32 $0x0;
	[sflag:s16] =	ssyncadd.s32 $0xFFFFD800  }
.LBB2_4:
0x25: {  	s24 =	simm.s32 $0x0  }
0x26: {  	s25 =	sshll.u32 s23, $0x4;
	v4 =	vmov s24  }
0x27: {  	s26 =	simm.s32 $0x1;
	v5 =	vmov s25;
	v4 =	vand.u32 $0x78, v4  }
0x28: {  	v6 =	vmov s26;
	v5 =	vshll.u32 v5, $0x7;
	v7 =	vbroadcast v4, $0x0  }
0x29: {  	s28 =	simm.s32 $0x2;
	v4 =	vor.u32 v2, v5;
	v5 =	vand.u32 $0x79, v6  }
0x2a: {  	v6 =	vmov s28;
	v5 =	vbroadcast v5, $0x0;
	v7 =	vor.u32 v4, v7  }
0x2b: {  	s29 =	simm.s32 $0x3;
	v6 =	vand.u32 $0x7A, v6  }
0x2c: {  	v8 =	vmov s29;
	v6 =	vbroadcast v6, $0x0;
	v5 =	vor.u32 v4, v5  }
0x2d: {  	s30 =	simm.s32 $0x4;
	v8 =	vand.u32 $0x7B, v8  }
0x2e: {  	v9 =	vmov s30;
	v8 =	vbroadcast v8, $0x0;
	v6 =	vor.u32 v4, v6  }
0x2f: {  	s31 =	simm.s32 $0x5;
	v9 =	vand.u32 $0x7C, v9;
	v11 =	vld.idx.msk [tilespmem:v7+s11+$0x0], $0xffff  }
0x30: {  	v10 =	vmov s31;
	v13 =	vor.u32 v4, v8;
	v12 =	vld.idx.msk [tilespmem:v7+s12+$0x0], $0xffff;
	v7 =	vbroadcast v9, $0x0  }
0x31: {  	s25 =	simm.s32 $0x6;
	v8 =	vand.u32 $0x7D, v10;
	v14 =	vld.idx.msk [tilespmem:v5+s11+$0x0], $0xffff  }
0x32: {  	v15 =	vld.idx.msk [tilespmem:v5+s12+$0x0], $0xffff;
	v5 =	vbroadcast v8, $0x0;
	v8 =	vmov s25;
	v16 =	vor.u32 v4, v7  }
0x33: {  	s26 =	simm.s32 $0x7;
	v7 =	vld.idx.msk [tilespmem:v6+s11+$0x0], $0xffff;
	v8 =	vand.u32 $0x7E, v8  }
0x34: {  	v9 =	vld.idx.msk [tilespmem:v6+s12+$0x0], $0xffff;
	v6 =	vmov s26;
	v10 =	vor.u32 v4, v5;
	v5 =	vbroadcast v8, $0x0  }
0x35: {  	v17 =	vimm.f32 $0.0e+00;
	v8 =	vld.idx.msk [tilespmem:v13+s11+$0x0], $0xffff;
	v6 =	vand.u32 $0x7F, v6  }
0x36: {  	s29 =	simm.s32 $0xC;
	s28 =	simm.s32 $0x8;
	s26 =	simm.s32 $0xD;
	v13 =	vld.idx.msk [tilespmem:v13+s12+$0x0], $0xffff;
	v21 =	vbroadcast v6, $0x0;
	v18 =	vsub.f32 v11, v12;
	v12 =	vor.u32 v4, v5  }
0x37: {  	v22 =	vmov s28;
	v6 =	vmov s29;
	v5 =	vmov s26;
	v11 =	vld.idx.msk [tilespmem:v16+s11+$0x0], $0xffff  }
0x38: {  	s30 =	simm.s32 $0x9;
	s31 =	simm.s32 $0xB;
	v20 =	vsub.f32 v14, v15;
	v14 =	vor.u32 v4, v21;
	v19 =	vmul.f32 v18, v18;
	v16 =	vld.idx.msk [tilespmem:v16+s12+$0x0], $0xffff  }
0x39: {  	s24 =	simm.s32 $0xF;
	s25 =	simm.s32 $0x17;
	v21 =	vand.u32 $0x78, v22;
	v22 =	vmov s30;
	v18 =	vmov s31;
	v15 =	vld.idx.msk [tilespmem:v10+s11+$0x0], $0xffff  }
.LBB2_5:
0x3a: {  	p0 =	sne.s32 s25, $0x7F;
	s26 =	sadd.s32 $0xFFFFFFFB, s24;
	v17 =	vadd.f32 v19, v17;
	v19 =	vmul.f32 v20, v20;
	v7 =	vsub.f32 v7, v9;
	v9 =	vld.idx.msk [tilespmem:v10+s12+$0x0], $0xffff  }
0x3b: {  	v10 =	vbroadcast v21, $0x0;
	v20 =	vand.u32 $0x79, v22;
	v21 =	vmov s26;
	v22 =	vld.idx.msk [tilespmem:v12+s11+$0x0], $0xffff  }
0x3c: {  	v8 =	vsub.f32 v8, v13;
	v17 =	vadd.f32 v19, v17;
	v7 =	vmul.f32 v7, v7;
	v12 =	vld.idx.msk [tilespmem:v12+s12+$0x0], $0xffff  }
0x3d: {  	v13 =	vbroadcast v20, $0x0;
	v10 =	vor.u32 v4, v10;
	v19 =	vand.u32 $0x7A, v21;
	v20 =	vld.idx.msk [tilespmem:v14+s11+$0x0], $0xffff  }
0x3e: {  	v8 =	vmul.f32 v8, v8;
	v11 =	vsub.f32 v11, v16;
	v7 =	vadd.f32 v7, v17;
	v14 =	vld.idx.msk [tilespmem:v14+s12+$0x0], $0xffff  }
0x3f: {  	v13 =	vor.u32 v4, v13;
	v16 =	vbroadcast v19, $0x0;
	v17 =	vand.u32 $0x7B, v18  }
0x40: {  	v9 =	vsub.f32 v15, v9;
	v7 =	vadd.f32 v8, v7;
	v8 =	vmul.f32 v11, v11  }
0x41: {  	v6 =	vand.u32 $0x7C, v6;
	v15 =	vbroadcast v17, $0x0;
	v11 =	vor.u32 v4, v16  }
0x42: {  	v16 =	vld.idx.msk [tilespmem:v10+s11+$0x0], $0xffff;
	v7 =	vadd.f32 v8, v7;
	v8 =	vmul.f32 v9, v9;
	v9 =	vsub.f32 v22, v12  }
0x43: {  	v5 =	vand.u32 $0x7D, v5;
	v6 =	vbroadcast v6, $0x0;
	v15 =	vor.u32 v4, v15;
	v12 =	vld.idx.msk [tilespmem:v10+s12+$0x0], $0xffff  }
0x44: {  	s26 =	sadd.s32 $0xFFFFFFFF, s24;
	v10 =	vsub.f32 v20, v14;
	v18 =	vld.idx.msk [tilespmem:v13+s11+$0x0], $0xffff;
	v8 =	vadd.f32 v8, v7;
	v9 =	vmul.f32 v9, v9  }
0x45: {  	v5 =	vbroadcast v5, $0x0;
	v21 =	vor.u32 v4, v6;
	v6 =	vmov s26;
	v14 =	vld.idx.msk [tilespmem:v13+s12+$0x0], $0xffff  }
0x46: {  	v6 =	vand.u32 $0x7E, v6;
	v17 =	vmul.f32 v10, v10;
	v7 =	vld.idx.msk [tilespmem:v11+s11+$0x0], $0xffff;
	v13 =	vadd.f32 v9, v8  }
0x47: {  	v10 =	vor.u32 v4, v5;
	v5 =	vbroadcast v6, $0x0;
	v6 =	vmov s24;
	s24 =	smov.u32 s25;
	v9 =	vld.idx.msk [tilespmem:v11+s12+$0x0], $0xffff  }
.Ltmp0:
0x48: {  	v6 =	vand.u32 $0x7F, v6;
	v8 =	vld.idx.msk [tilespmem:v15+s11+$0x0], $0xffff;
	v17 =	vadd.f32 v17, v13;
	(pc) =	sbr.rel @p0 .LBB2_5-.Ltmp0, $4  }
0x49: {  	s28 =	sadd.s32 $0xFFFFFFFD, s25;
	s29 =	sadd.s32 $0xFFFFFFFE, s25;
	s26 =	sadd.s32 $0xFFFFFFF9, s25;
	v16 =	vsub.f32 v16, v12;
	v12 =	vor.u32 v4, v5;
	v13 =	vld.idx.msk [tilespmem:v15+s12+$0x0], $0xffff;
	v15 =	vbroadcast v6, $0x0  }
0x4a: {  	v22 =	vmov s26;
	v5 =	vmov s29;
	v6 =	vmov s28;
	v11 =	vld.idx.msk [tilespmem:v21+s11+$0x0], $0xffff  }
0x4b: {  	s26 =	sadd.s32 $0xFFFFFFFA, s25;
	s28 =	sadd.s32 $0xFFFFFFFC, s25;
	v19 =	vmul.f32 v16, v16;
	v20 =	vsub.f32 v18, v14;
	v16 =	vld.idx.msk [tilespmem:v21+s12+$0x0], $0xffff;
	v14 =	vor.u32 v4, v15  }
0x4c: {  	s25 =	sadd.s32 $0x8, s25;
	v18 =	vmov s28;
	v21 =	vand.u32 $0x78, v22;
	v22 =	vmov s26;
	v15 =	vld.idx.msk [tilespmem:v10+s11+$0x0], $0xffff  }
0x4d: {  	_ =	sdelay $0x1  }
0x4e: {  	v17 =	vadd.f32 v19, v17;
	v25 =	vmul.f32 v20, v20  }
0x4f: {  	s25 =	sadd.s32 $0xFFFFFFFB, s24;
	v7 =	vsub.f32 v7, v9;
	v27 =	vbroadcast v21, $0x0;
	v28 =	vand.u32 $0x79, v22  }
0x50: {  	v26 =	vld.idx.msk [tilespmem:v10+s12+$0x0], $0xffff;
	v35 =	vand.u32 $0x7B, v18;
	v6 =	vand.u32 $0x7C, v6;
	v29 =	vmov s25  }
0x51: {  	v30 =	vld.idx.msk [tilespmem:v12+s11+$0x0], $0xffff;
	v8 =	vsub.f32 v8, v13;
	v32 =	vbroadcast v28, $0x0;
	v10 =	vor.u32 v4, v27  }
0x52: {  	v31 =	vld.idx.msk [tilespmem:v12+s12+$0x0], $0xffff;
	v17 =	vadd.f32 v25, v17;
	v7 =	vmul.f32 v7, v7;
	v33 =	vand.u32 $0x7A, v29  }
0x53: {  	v36 =	vld.idx.msk [tilespmem:v14+s11+$0x0], $0xffff;
	v5 =	vand.u32 $0x7D, v5;
	v13 =	vor.u32 v4, v32;
	v34 =	vbroadcast v33, $0x0  }
0x54: {  	v38 =	vld.idx.msk [tilespmem:v14+s12+$0x0], $0xffff;
	v8 =	vmul.f32 v8, v8;
	v11 =	vsub.f32 v11, v16;
	v7 =	vadd.f32 v7, v17  }
0x55: {  	v51 =	vmov s24;
	v40 =	vbroadcast v35, $0x0;
	v39 =	vor.u32 v4, v34  }
0x56: {  	v37 =	vmul.f32 v11, v11;
	v9 =	vsub.f32 v15, v26;
	v7 =	vadd.f32 v8, v7;
	v41 =	vld.idx.msk [tilespmem:v10+s11+$0x0], $0xffff  }
0x57: {  	v6 =	vbroadcast v6, $0x0;
	v5 =	vbroadcast v5, $0x0;
	v44 =	vor.u32 v4, v40;
	v10 =	vld.idx.msk [tilespmem:v10+s12+$0x0], $0xffff  }
0x58: {  	s31 =	sadd.s32 $0xFFFFFFFF, s24;
	v43 =	vsub.f32 v30, v31;
	v42 =	vmul.f32 v9, v9;
	v7 =	vadd.f32 v37, v7;
	v45 =	vld.idx.msk [tilespmem:v13+s11+$0x0], $0xffff  }
0x59: {  	v48 =	vmov s31;
	v6 =	vor.u32 v4, v6;
	v11 =	vsub.f32 v36, v38;
	v47 =	vld.idx.msk [tilespmem:v13+s12+$0x0], $0xffff  }
0x5a: {  	v46 =	vmul.f32 v43, v43;
	v13 =	vand.u32 $0x7E, v48;
	v7 =	vadd.f32 v42, v7;
	v49 =	vld.idx.msk [tilespmem:v39+s11+$0x0], $0xffff  }
0x5b: {  	v14 =	vand.u32 $0x7F, v51;
	v5 =	vor.u32 v4, v5;
	v13 =	vbroadcast v13, $0x0;
	v50 =	vld.idx.msk [tilespmem:v39+s12+$0x0], $0xffff  }
0x5c: {  	v11 =	vmul.f32 v11, v11;
	v52 =	vld.idx.msk [tilespmem:v44+s11+$0x0], $0xffff;
	v7 =	vadd.f32 v46, v7;
	v10 =	vsub.f32 v41, v10  }
0x5d: {  	v14 =	vbroadcast v14, $0x0;
	v12 =	vld.idx.msk [tilespmem:v44+s12+$0x0], $0xffff;
	v13 =	vor.u32 v4, v13  }
0x5e: {  	v53 =	vld.idx.msk [tilespmem:v6+s11+$0x0], $0xffff;
	v9 =	vsub.f32 v45, v47;
	v7 =	vadd.f32 v11, v7;
	v10 =	vmul.f32 v10, v10  }
0x5f: {  	v6 =	vld.idx.msk [tilespmem:v6+s12+$0x0], $0xffff;
	v4 =	vor.u32 v4, v14  }
0x60: {  	v54 =	vld.idx.msk [tilespmem:v5+s11+$0x0], $0xffff;
	v9 =	vmul.f32 v9, v9;
	v8 =	vsub.f32 v49, v50;
	v7 =	vadd.f32 v10, v7  }
0x61: {  	v5 =	vld.idx.msk [tilespmem:v5+s12+$0x0], $0xffff  }
0x62: {  	v56 =	vsub.f32 v52, v12;
	v55 =	vld.idx.msk [tilespmem:v13+s11+$0x0], $0xffff;
	v8 =	vmul.f32 v8, v8;
	v7 =	vadd.f32 v9, v7  }
0x63: {  	v57 =	vld.idx.msk [tilespmem:v13+s12+$0x0], $0xffff  }
0x64: {  	v6 =	vsub.f32 v53, v6;
	v59 =	vmul.f32 v56, v56;
	v58 =	vld.idx.msk [tilespmem:v4+s11+$0x0], $0xffff;
	v7 =	vadd.f32 v8, v7  }
0x65: {  	v4 =	vld.idx.msk [tilespmem:v4+s12+$0x0], $0xffff  }
0x66: {  	v5 =	vsub.f32 v54, v5;
	v6 =	vmul.f32 v6, v6;
	v7 =	vadd.f32 v59, v7;
	_ =	sdelay $0x1  }
0x67: {  	v5 =	vmul.f32 v5, v5;
	v60 =	vsub.f32 v55, v57;
	v6 =	vadd.f32 v6, v7;
	_ =	sdelay $0x1  }
0x68: {  	v4 =	vsub.f32 v58, v4;
	v61 =	vmul.f32 v60, v60;
	v5 =	vadd.f32 v5, v6;
	_ =	sdelay $0x1  }
0x69: {  	v4 =	vmul.f32 v4, v4;
	v5 =	vadd.f32 v61, v5;
	_ =	sdelay $0x1  }
0x6a: {  	v4 =	vadd.f32 v4, v5;
	_ =	sdelay $0x1  }
0x6b: {  	v4 =	vadd.f32 $9.999999960e-13, v4;
	_ =	sdelay $0x1  }
0x6c: {  	v5 =	vshrl.u32 v4, $0x1;
	v62 =	vmul.f32 $5.000000000e-01, v4  }
0x6d: {  	v5 =	vsub.s32 $0x5F3759DF, v5  }
0x6e: {  	v63 =	vmul.f32 v5, v62;
	_ =	sdelay $0x1  }
0x6f: {  	v7 =	vmul.f32 v5, v63;
	_ =	sdelay $0x1  }
0x70: {  	v7 =	vsub.f32 $1.500000000e+00, v7;
	_ =	sdelay $0x1  }
0x71: {  	v5 =	vmul.f32 v5, v7;
	_ =	sdelay $0x1  }
0x72: {  	v7 =	vmul.f32 v5, v62;
	_ =	sdelay $0x1  }
0x73: {  	v7 =	vmul.f32 v7, v5;
	_ =	sdelay $0x1  }
0x74: {  	v7 =	vsub.f32 $1.500000000e+00, v7;
	_ =	sdelay $0x1  }
0x75: {  	v5 =	vmul.f32 v7, v5;
	_ =	sdelay $0x1  }
0x76: {  	v6 =	vmul.f32 v5, v62;
	_ =	sdelay $0x1  }
0x77: {  	v6 =	vmul.f32 v6, v5;
	_ =	sdelay $0x1  }
0x78: {  	v6 =	vsub.f32 $1.500000000e+00, v6;
	_ =	sdelay $0x1  }
0x79: {  	v5 =	vmul.f32 v6, v5;
	_ =	sdelay $0x1  }
0x7a: {  	v4 =	vmul.f32 v5, v4;
	_ =	sdelay $0x1  }
0x7b: {  	v4 =	vmul.f32 v4, v0  }
0x7c: {  	s23 =	sadd.s32 $0x1, s23  }
0x7d: {  	p0 =	sne.s32 s23, $0x5;
	v4 =	vsub.f32 v4, v1  }
.Ltmp1:
0x7e: {  	_ = 	snop;
	(pc) =	sbr.rel @p0 .LBB2_4-.Ltmp1, $3  }
0x7f: {  	v4 =	vmax.f32 v4, $0.0e+00  }
0x80: {  	v4 =	vmul.f32 v4, v4;
	_ =	sdelay $0x1  }
0x81: {  	v3 =	vadd.f32 v4, v3  }
0x82: {  	p0 =	seq.s32 s21, $0x7C  }
0x83: {  	s23 =	sadd.s32 @!p0 $0x100, s22;
	s24 =	simm.s32 @!p0 $0x50;
	s25 =	simm.s32 @!p0 $0x10000  }
0x84: {  	[tilespmem:s25], [sflag:$0x1] =	stream.indirect.gather @!p0 [hbm4b:s2+s24], $0x80, s23, s24, $0xb8;
	[tilespmem:$0x1A080] =	vst v63  }
0x85: {  	s22 =	sadd.s32 @!p0 $0x8100, s22;
	s23 =	simm.s32 @!p0 $0x15000  }
0x86: {  	[tilespmem:s23], [sflag:$0x2] =	stream.indirect.gather @!p0 [hbm4b:s2+s24], $0x80, s22, s24, $0xb8;
	[tilespmem:$0x1A080] =	vst v63  }
0x87: {  	_ =	swait.ge [sflag:s17], $0x2800  }
0x88: {  	[sflag:s17] =	ssyncset.done $0x0  }
0x89: {  	[sflag:s17] =	ssyncadd.s32 $0xFFFFD800  }
0x8a: {  	_ =	swait.ge [sflag:s18], $0x2800  }
0x8b: {  	[sflag:s18] =	ssyncset.done $0x0  }
0x8c: {  	s21 =	sadd.s32 $0x1, s21;
	s22 =	simm.s32 $0x0;
	[sflag:s18] =	ssyncadd.s32 $0xFFFFD800  }
.LBB2_8:
0x8d: {  	s23 =	simm.s32 $0x0  }
0x8e: {  	s24 =	sshll.u32 s22, $0x4;
	v4 =	vmov s23  }
0x8f: {  	s28 =	simm.s32 $0x1;
	v5 =	vmov s24;
	v4 =	vand.u32 $0x78, v4  }
0x90: {  	v6 =	vmov s28;
	v5 =	vshll.u32 v5, $0x7;
	v7 =	vbroadcast v4, $0x0  }
0x91: {  	s29 =	simm.s32 $0x2;
	v4 =	vor.u32 v2, v5;
	v5 =	vand.u32 $0x79, v6  }
0x92: {  	v6 =	vmov s29;
	v5 =	vbroadcast v5, $0x0;
	v7 =	vor.u32 v4, v7  }
0x93: {  	s30 =	simm.s32 $0x3;
	v6 =	vand.u32 $0x7A, v6  }
0x94: {  	v8 =	vmov s30;
	v6 =	vbroadcast v6, $0x0;
	v5 =	vor.u32 v4, v5  }
0x95: {  	s31 =	simm.s32 $0x4;
	v8 =	vand.u32 $0x7B, v8  }
0x96: {  	v9 =	vmov s31;
	v8 =	vbroadcast v8, $0x0;
	v6 =	vor.u32 v4, v6  }
0x97: {  	s24 =	simm.s32 $0x5;
	v9 =	vand.u32 $0x7C, v9;
	v11 =	vld.idx.msk [tilespmem:v7+s13+$0x0], $0xffff  }
0x98: {  	v10 =	vmov s24;
	v13 =	vor.u32 v4, v8;
	v12 =	vld.idx.msk [tilespmem:v7+s14+$0x0], $0xffff;
	v7 =	vbroadcast v9, $0x0  }
0x99: {  	s25 =	simm.s32 $0x6;
	v8 =	vand.u32 $0x7D, v10;
	v14 =	vld.idx.msk [tilespmem:v5+s13+$0x0], $0xffff  }
0x9a: {  	v15 =	vld.idx.msk [tilespmem:v5+s14+$0x0], $0xffff;
	v5 =	vbroadcast v8, $0x0;
	v8 =	vmov s25;
	v16 =	vor.u32 v4, v7  }
0x9b: {  	s26 =	simm.s32 $0x7;
	v7 =	vld.idx.msk [tilespmem:v6+s13+$0x0], $0xffff;
	v8 =	vand.u32 $0x7E, v8  }
0x9c: {  	v9 =	vld.idx.msk [tilespmem:v6+s14+$0x0], $0xffff;
	v6 =	vmov s26;
	v10 =	vor.u32 v4, v5;
	v5 =	vbroadcast v8, $0x0  }
0x9d: {  	v17 =	vimm.f32 $0.0e+00;
	v8 =	vld.idx.msk [tilespmem:v13+s13+$0x0], $0xffff;
	v6 =	vand.u32 $0x7F, v6  }
0x9e: {  	s28 =	simm.s32 $0x8;
	s29 =	simm.s32 $0xC;
	s25 =	simm.s32 $0xD;
	v13 =	vld.idx.msk [tilespmem:v13+s14+$0x0], $0xffff;
	v21 =	vbroadcast v6, $0x0;
	v18 =	vsub.f32 v11, v12;
	v12 =	vor.u32 v4, v5  }
0x9f: {  	v22 =	vmov s28;
	v6 =	vmov s29;
	v5 =	vmov s25;
	v11 =	vld.idx.msk [tilespmem:v16+s13+$0x0], $0xffff  }
0xa0: {  	s30 =	simm.s32 $0x9;
	s31 =	simm.s32 $0xB;
	v20 =	vsub.f32 v14, v15;
	v14 =	vor.u32 v4, v21;
	v19 =	vmul.f32 v18, v18;
	v16 =	vld.idx.msk [tilespmem:v16+s14+$0x0], $0xffff  }
0xa1: {  	s23 =	simm.s32 $0xF;
	s24 =	simm.s32 $0x17;
	v21 =	vand.u32 $0x78, v22;
	v22 =	vmov s30;
	v18 =	vmov s31;
	v15 =	vld.idx.msk [tilespmem:v10+s13+$0x0], $0xffff  }
.LBB2_9:
0xa2: {  	p0 =	sne.s32 s24, $0x7F;
	s25 =	sadd.s32 $0xFFFFFFFB, s23;
	v17 =	vadd.f32 v19, v17;
	v19 =	vmul.f32 v20, v20;
	v7 =	vsub.f32 v7, v9;
	v9 =	vld.idx.msk [tilespmem:v10+s14+$0x0], $0xffff  }
0xa3: {  	v10 =	vbroadcast v21, $0x0;
	v20 =	vand.u32 $0x79, v22;
	v21 =	vmov s25;
	v22 =	vld.idx.msk [tilespmem:v12+s13+$0x0], $0xffff  }
0xa4: {  	v8 =	vsub.f32 v8, v13;
	v17 =	vadd.f32 v19, v17;
	v7 =	vmul.f32 v7, v7;
	v12 =	vld.idx.msk [tilespmem:v12+s14+$0x0], $0xffff  }
0xa5: {  	v13 =	vbroadcast v20, $0x0;
	v10 =	vor.u32 v4, v10;
	v19 =	vand.u32 $0x7A, v21;
	v20 =	vld.idx.msk [tilespmem:v14+s13+$0x0], $0xffff  }
0xa6: {  	v8 =	vmul.f32 v8, v8;
	v11 =	vsub.f32 v11, v16;
	v7 =	vadd.f32 v7, v17;
	v14 =	vld.idx.msk [tilespmem:v14+s14+$0x0], $0xffff  }
0xa7: {  	v13 =	vor.u32 v4, v13;
	v16 =	vbroadcast v19, $0x0;
	v17 =	vand.u32 $0x7B, v18  }
0xa8: {  	v9 =	vsub.f32 v15, v9;
	v7 =	vadd.f32 v8, v7;
	v8 =	vmul.f32 v11, v11  }
0xa9: {  	v6 =	vand.u32 $0x7C, v6;
	v15 =	vbroadcast v17, $0x0;
	v11 =	vor.u32 v4, v16  }
0xaa: {  	v16 =	vld.idx.msk [tilespmem:v10+s13+$0x0], $0xffff;
	v7 =	vadd.f32 v8, v7;
	v8 =	vmul.f32 v9, v9;
	v9 =	vsub.f32 v22, v12  }
0xab: {  	v5 =	vand.u32 $0x7D, v5;
	v6 =	vbroadcast v6, $0x0;
	v15 =	vor.u32 v4, v15;
	v12 =	vld.idx.msk [tilespmem:v10+s14+$0x0], $0xffff  }
0xac: {  	s25 =	sadd.s32 $0xFFFFFFFF, s23;
	v10 =	vsub.f32 v20, v14;
	v18 =	vld.idx.msk [tilespmem:v13+s13+$0x0], $0xffff;
	v8 =	vadd.f32 v8, v7;
	v9 =	vmul.f32 v9, v9  }
0xad: {  	v5 =	vbroadcast v5, $0x0;
	v21 =	vor.u32 v4, v6;
	v6 =	vmov s25;
	v14 =	vld.idx.msk [tilespmem:v13+s14+$0x0], $0xffff  }
0xae: {  	v6 =	vand.u32 $0x7E, v6;
	v17 =	vmul.f32 v10, v10;
	v7 =	vld.idx.msk [tilespmem:v11+s13+$0x0], $0xffff;
	v13 =	vadd.f32 v9, v8  }
0xaf: {  	v10 =	vor.u32 v4, v5;
	v5 =	vbroadcast v6, $0x0;
	v6 =	vmov s23;
	s23 =	smov.u32 s24;
	v9 =	vld.idx.msk [tilespmem:v11+s14+$0x0], $0xffff  }
.Ltmp2:
0xb0: {  	v6 =	vand.u32 $0x7F, v6;
	v8 =	vld.idx.msk [tilespmem:v15+s13+$0x0], $0xffff;
	v17 =	vadd.f32 v17, v13;
	(pc) =	sbr.rel @p0 .LBB2_9-.Ltmp2, $4  }
0xb1: {  	s26 =	sadd.s32 $0xFFFFFFFD, s24;
	s28 =	sadd.s32 $0xFFFFFFFE, s24;
	s25 =	sadd.s32 $0xFFFFFFF9, s24;
	v16 =	vsub.f32 v16, v12;
	v12 =	vor.u32 v4, v5;
	v13 =	vld.idx.msk [tilespmem:v15+s14+$0x0], $0xffff;
	v15 =	vbroadcast v6, $0x0  }
0xb2: {  	v22 =	vmov s25;
	v5 =	vmov s28;
	v6 =	vmov s26;
	v11 =	vld.idx.msk [tilespmem:v21+s13+$0x0], $0xffff  }
0xb3: {  	s25 =	sadd.s32 $0xFFFFFFFA, s24;
	s26 =	sadd.s32 $0xFFFFFFFC, s24;
	v19 =	vmul.f32 v16, v16;
	v20 =	vsub.f32 v18, v14;
	v16 =	vld.idx.msk [tilespmem:v21+s14+$0x0], $0xffff;
	v14 =	vor.u32 v4, v15  }
0xb4: {  	s24 =	sadd.s32 $0x8, s24;
	v18 =	vmov s26;
	v21 =	vand.u32 $0x78, v22;
	v22 =	vmov s25;
	v15 =	vld.idx.msk [tilespmem:v10+s13+$0x0], $0xffff  }
0xb5: {  	_ =	sdelay $0x1  }
0xb6: {  	v17 =	vadd.f32 v19, v17;
	v25 =	vmul.f32 v20, v20  }
0xb7: {  	s24 =	sadd.s32 $0xFFFFFFFB, s23;
	v7 =	vsub.f32 v7, v9;
	v27 =	vbroadcast v21, $0x0;
	v28 =	vand.u32 $0x79, v22  }
0xb8: {  	v26 =	vld.idx.msk [tilespmem:v10+s14+$0x0], $0xffff;
	v35 =	vand.u32 $0x7B, v18;
	v6 =	vand.u32 $0x7C, v6;
	v29 =	vmov s24  }
0xb9: {  	v30 =	vld.idx.msk [tilespmem:v12+s13+$0x0], $0xffff;
	v8 =	vsub.f32 v8, v13;
	v32 =	vbroadcast v28, $0x0;
	v10 =	vor.u32 v4, v27  }
0xba: {  	v31 =	vld.idx.msk [tilespmem:v12+s14+$0x0], $0xffff;
	v17 =	vadd.f32 v25, v17;
	v7 =	vmul.f32 v7, v7;
	v33 =	vand.u32 $0x7A, v29  }
0xbb: {  	v36 =	vld.idx.msk [tilespmem:v14+s13+$0x0], $0xffff;
	v5 =	vand.u32 $0x7D, v5;
	v13 =	vor.u32 v4, v32;
	v34 =	vbroadcast v33, $0x0  }
0xbc: {  	v38 =	vld.idx.msk [tilespmem:v14+s14+$0x0], $0xffff;
	v8 =	vmul.f32 v8, v8;
	v11 =	vsub.f32 v11, v16;
	v7 =	vadd.f32 v7, v17  }
0xbd: {  	v51 =	vmov s23;
	v40 =	vbroadcast v35, $0x0;
	v39 =	vor.u32 v4, v34  }
0xbe: {  	v37 =	vmul.f32 v11, v11;
	v9 =	vsub.f32 v15, v26;
	v7 =	vadd.f32 v8, v7;
	v41 =	vld.idx.msk [tilespmem:v10+s13+$0x0], $0xffff  }
0xbf: {  	v6 =	vbroadcast v6, $0x0;
	v5 =	vbroadcast v5, $0x0;
	v44 =	vor.u32 v4, v40;
	v10 =	vld.idx.msk [tilespmem:v10+s14+$0x0], $0xffff  }
0xc0: {  	s31 =	sadd.s32 $0xFFFFFFFF, s23;
	v43 =	vsub.f32 v30, v31;
	v42 =	vmul.f32 v9, v9;
	v7 =	vadd.f32 v37, v7;
	v45 =	vld.idx.msk [tilespmem:v13+s13+$0x0], $0xffff  }
0xc1: {  	v48 =	vmov s31;
	v6 =	vor.u32 v4, v6;
	v11 =	vsub.f32 v36, v38;
	v47 =	vld.idx.msk [tilespmem:v13+s14+$0x0], $0xffff  }
0xc2: {  	v46 =	vmul.f32 v43, v43;
	v13 =	vand.u32 $0x7E, v48;
	v7 =	vadd.f32 v42, v7;
	v49 =	vld.idx.msk [tilespmem:v39+s13+$0x0], $0xffff  }
0xc3: {  	v14 =	vand.u32 $0x7F, v51;
	v5 =	vor.u32 v4, v5;
	v13 =	vbroadcast v13, $0x0;
	v50 =	vld.idx.msk [tilespmem:v39+s14+$0x0], $0xffff  }
0xc4: {  	v11 =	vmul.f32 v11, v11;
	v52 =	vld.idx.msk [tilespmem:v44+s13+$0x0], $0xffff;
	v7 =	vadd.f32 v46, v7;
	v10 =	vsub.f32 v41, v10  }
0xc5: {  	v14 =	vbroadcast v14, $0x0;
	v12 =	vld.idx.msk [tilespmem:v44+s14+$0x0], $0xffff;
	v13 =	vor.u32 v4, v13  }
0xc6: {  	v53 =	vld.idx.msk [tilespmem:v6+s13+$0x0], $0xffff;
	v9 =	vsub.f32 v45, v47;
	v7 =	vadd.f32 v11, v7;
	v10 =	vmul.f32 v10, v10  }
0xc7: {  	v6 =	vld.idx.msk [tilespmem:v6+s14+$0x0], $0xffff;
	v4 =	vor.u32 v4, v14  }
0xc8: {  	v54 =	vld.idx.msk [tilespmem:v5+s13+$0x0], $0xffff;
	v9 =	vmul.f32 v9, v9;
	v8 =	vsub.f32 v49, v50;
	v7 =	vadd.f32 v10, v7  }
0xc9: {  	v5 =	vld.idx.msk [tilespmem:v5+s14+$0x0], $0xffff  }
0xca: {  	v56 =	vsub.f32 v52, v12;
	v55 =	vld.idx.msk [tilespmem:v13+s13+$0x0], $0xffff;
	v8 =	vmul.f32 v8, v8;
	v7 =	vadd.f32 v9, v7  }
0xcb: {  	v57 =	vld.idx.msk [tilespmem:v13+s14+$0x0], $0xffff  }
0xcc: {  	v6 =	vsub.f32 v53, v6;
	v59 =	vmul.f32 v56, v56;
	v58 =	vld.idx.msk [tilespmem:v4+s13+$0x0], $0xffff;
	v7 =	vadd.f32 v8, v7  }
0xcd: {  	v4 =	vld.idx.msk [tilespmem:v4+s14+$0x0], $0xffff  }
0xce: {  	v5 =	vsub.f32 v54, v5;
	v6 =	vmul.f32 v6, v6;
	v7 =	vadd.f32 v59, v7;
	_ =	sdelay $0x1  }
0xcf: {  	v5 =	vmul.f32 v5, v5;
	v60 =	vsub.f32 v55, v57;
	v6 =	vadd.f32 v6, v7;
	_ =	sdelay $0x1  }
0xd0: {  	v4 =	vsub.f32 v58, v4;
	v61 =	vmul.f32 v60, v60;
	v5 =	vadd.f32 v5, v6;
	_ =	sdelay $0x1  }
0xd1: {  	v4 =	vmul.f32 v4, v4;
	v5 =	vadd.f32 v61, v5;
	_ =	sdelay $0x1  }
0xd2: {  	v4 =	vadd.f32 v4, v5;
	_ =	sdelay $0x1  }
0xd3: {  	v4 =	vadd.f32 $9.999999960e-13, v4;
	_ =	sdelay $0x1  }
0xd4: {  	v5 =	vshrl.u32 v4, $0x1;
	v62 =	vmul.f32 $5.000000000e-01, v4  }
0xd5: {  	v5 =	vsub.s32 $0x5F3759DF, v5  }
0xd6: {  	v63 =	vmul.f32 v5, v62;
	_ =	sdelay $0x1  }
0xd7: {  	v7 =	vmul.f32 v5, v63;
	_ =	sdelay $0x1  }
0xd8: {  	v7 =	vsub.f32 $1.500000000e+00, v7;
	_ =	sdelay $0x1  }
0xd9: {  	v5 =	vmul.f32 v5, v7;
	_ =	sdelay $0x1  }
0xda: {  	v7 =	vmul.f32 v5, v62;
	_ =	sdelay $0x1  }
0xdb: {  	v7 =	vmul.f32 v7, v5;
	_ =	sdelay $0x1  }
0xdc: {  	v7 =	vsub.f32 $1.500000000e+00, v7;
	_ =	sdelay $0x1  }
0xdd: {  	v5 =	vmul.f32 v7, v5;
	_ =	sdelay $0x1  }
0xde: {  	v6 =	vmul.f32 v5, v62;
	_ =	sdelay $0x1  }
0xdf: {  	v6 =	vmul.f32 v6, v5;
	_ =	sdelay $0x1  }
0xe0: {  	v6 =	vsub.f32 $1.500000000e+00, v6;
	_ =	sdelay $0x1  }
0xe1: {  	v5 =	vmul.f32 v6, v5;
	_ =	sdelay $0x1  }
0xe2: {  	v4 =	vmul.f32 v5, v4;
	_ =	sdelay $0x1  }
0xe3: {  	v4 =	vmul.f32 v4, v0  }
0xe4: {  	s22 =	sadd.s32 $0x1, s22  }
0xe5: {  	p0 =	seq.s32 s22, $0x5;
	v4 =	vsub.f32 v4, v1  }
.Ltmp3:
0xe6: {  	_ = 	snop;
	(pc) =	sbr.rel @!p0 .LBB2_8-.Ltmp3, $3  }
0xe7: {  	v4 =	vmax.f32 v4, $0.0e+00  }
0xe8: {  	v4 =	vmul.f32 v4, v4;
	_ =	sdelay $0x1  }
0xe9: {  	v3 =	vadd.f32 v4, v3  }
0xea: {  	p0 =	seq.s32 s21, $0x7D  }
.Ltmp4:
0xeb: {  	_ = 	snop;
	(pc) =	sbr.rel @!p0 .LBB2_3-.Ltmp4, $1  }
0xec: {  	_ =	sdelay $0x3  }
0xed: {  	s20 =	sadd.s32 $0x1, s20  }
0xee: {  	p0 =	sne.s32 s20, s7  }
.Ltmp5:
0xef: {  	[tilespmem:$0x1A000] =	vst v3;
	(pc) =	sbr.rel @p0 .LBB2_1-.Ltmp5, $4  }
0xf0: {  	[hbm4b:s6+s3] =	stream.linear.scatter [tilespmem:s19], [sflag:$0x5], $0x80, $0x38;
	[tilespmem:$0x1A080] =	vst v63  }
0xf1: {  	_ =	swait.ge [sflag:s8], $0x80  }
0xf2: {  	[sflag:s8] =	ssyncset.done $0x0  }
0xf3: {  	[sflag:s8] =	ssyncadd.s32 $0xFFFFFF80  }
0xf4: {  	_ =	sfence.sel $0x180000  }
0xf5: {  	[bflag:$0x0] =	sbarrier.arrive $0xFFFF  }
0xf6: {  	p0 =	sne.s32 s0, $0x0;
	_ =	strace $0x90000047  }
0xf7: {  	s0 =	sadd.s32 @!p0 $0x100000, s1;
	[bflag:$0x2] =	sbarrier.arrive $0xFFFF  }
0xf8: {  	[sflag:s0] =	ssyncadd.tile.s32 @!p0 $0x1;
	_ =	shalt  }
.Lfunc_end2:
_tile_overlayer_lowered:
.L_overlay_start_2:
0xf9: {  	(tag) =	ssettag $0x2  }
0xfa: {  	s0 =	rddreg [dreg:$0x0];
	s2 =	stileid.u32  }
0xfb: {  	s1 =	rddreg [dreg:$0x1];
	p0 =	sne.s32 s2, $0x0  }
0xfc: {  	s3 =	rddreg [dreg:$0x2];
	[bflag:$0x3] =	sbarrier.arrive $0xFFFF;
	s2 =	simm.s32 @!p0 $0x1C05  }
0xfd: {  	[timem:s3], [sflag:s2] =	dma.local @!p0 [hbm:s0], s1  }
0xfe: {  	s0 =	simm.s32 @!p0 $0x5  }
0xff: {  	_ =	swait.ge @!p0 [sflag:s0], s1  }
0x100: {  	s1 =	ssub.s32 @!p0 $0x0, s1;
	[sflag:s0] =	ssyncset.done @!p0 $0x0  }
0x101: {  	[sflag:s0] =	ssyncadd.s32 @!p0 s1  }
0x102: {  	[bflag:$0x3] =	sbarrier.arrive $0xFFFF  }
0x103: {  	_ =	shalt  }

</sc_bundles>
